<compile_context>
chip_gen: v7x
topology: tpu7x:2x2x1
jax: 0.10.2.dev20260603
libtpu: 0.0.44.dev20260713+nightly
codegen_flags: <defaults>
</compile_context>

<pallas_src>
import functools

import jax
import jax.numpy as jnp
from jax import lax
from jax.experimental import pallas as pl
from jax.experimental.pallas import tpu as pltpu
from jax.experimental.pallas import tpu_sc as plsc

N_CLASSES = 1000
N_ROWS = 16384
SMOOTH_ = 0.1
FILL_VAL = SMOOTH_ / N_CLASSES
HOT_VAL = 1.0 - SMOOTH_ + SMOOTH_ / N_CLASSES

NUM_CORES = 2
NUM_SUBCORES = 16
LANES = 16
NUM_WORKERS = NUM_CORES * NUM_SUBCORES
ROWS_PER_WORKER = N_ROWS // NUM_WORKERS
R = 16
ITERS = ROWS_PER_WORKER // R
CHUNK = R * N_CLASSES


def _sc_body(target_hbm, out_hbm, idx_v, buf0, buf1, sem0, sem1):
    wid = lax.axis_index("s") * NUM_CORES + lax.axis_index("c")
    base_row = wid * ROWS_PER_WORKER
    pltpu.sync_copy(target_hbm.at[pl.ds(base_row, ROWS_PER_WORKER)], idx_v)

    cfill = jnp.full((LANES,), FILL_VAL, jnp.float32)
    chot = jnp.full((LANES,), HOT_VAL, jnp.float32)

    def fill(k, carry):
        buf0[pl.ds(k * LANES, LANES)] = cfill
        buf1[pl.ds(k * LANES, LANES)] = cfill
        return carry

    lax.fori_loop(0, CHUNK // LANES, fill, 0)

    row_off = lax.iota(jnp.int32, LANES) * jnp.int32(N_CLASSES)

    bufs = (buf0, buf1)
    sems = (sem0, sem1)
    handles = [None, None]
    pending_pos = [None, None]
    for i in range(ITERS):
        b = i % 2
        buf = bufs[b]
        if handles[b] is not None:
            handles[b].wait()
            plsc.store_scatter(buf, [pending_pos[b]], cfill)
        pos = row_off + idx_v[pl.ds(i * R, LANES)]
        plsc.store_scatter(buf, [pos], chot)
        pending_pos[b] = pos
        handles[b] = pltpu.async_copy(
            buf,
            out_hbm.at[pl.ds((base_row + i * R) * N_CLASSES, CHUNK)],
            sems[b],
        )
    handles[0].wait()
    handles[1].wait()


_sc_onehot = functools.partial(
    pl.kernel,
    out_type=jax.ShapeDtypeStruct((N_ROWS * N_CLASSES,), jnp.float32),
    scratch_types=[
        pltpu.VMEM((ROWS_PER_WORKER,), jnp.int32),
        pltpu.VMEM((CHUNK,), jnp.float32),
        pltpu.VMEM((CHUNK,), jnp.float32),
        pltpu.SemaphoreType.DMA,
        pltpu.SemaphoreType.DMA,
    ],
    mesh=plsc.VectorSubcoreMesh(core_axis_name="c", subcore_axis_name="s"),
    compiler_params=pltpu.CompilerParams(needs_layout_passes=False),
)(_sc_body)


def kernel(target):
    flat = _sc_onehot(target.astype(jnp.int32))
    return flat.reshape(N_ROWS, N_CLASSES)

# --- scband reference (transcript-rebuilt; emitter-appended) ---
"""Pipeline reference for scband-one-hot-90494960927491 (READ-ONLY COPY).

The authoritative reference and input builder live on the scoring server;
editing this copy changes nothing except your own understanding.
"""

import jax, jax.numpy as jnp
import numpy as np

N_CLASSES = 1000
SMOOTH = 0.1


def setup_inputs(seed: int = 0) -> dict:
    key = jax.random.key(seed)
    target = jax.random.randint(key, (16384,), 0, N_CLASSES, dtype=jnp.int64 if jax.config.jax_enable_x64 else jnp.int32)
    return {"target": target}


def reference(target):
    # torch.nn.functional.one_hot -> jax.nn.one_hot (integer 0/1 matrix)
    result = jax.nn.one_hot(target, N_CLASSES, dtype=jnp.float32)
    # label smoothing: (1 - smooth) * one_hot + smooth / n_classes
    result = (1.0 - SMOOTH) * result + SMOOTH / N_CLASSES
    return result

if __name__ == "__main__":
    import jax
    _d = setup_inputs()
    print(jax.jit(kernel)(*tuple(_d.values())))

</pallas_src>

<mosaic_0001>
#map = affine_map<(d0, d1) -> (0)>
module attributes {stable_mosaic.version = 14 : i64} {
  func.func @_sc_body(%arg0: i32, %arg1: i32, %arg2: memref<16384xi32, #tpu.memory_space<hbm>>, %arg3: memref<16384000xf32, #tpu.memory_space<hbm>>, %arg4: memref<512xi32, #tpu.memory_space<vmem>>, %arg5: memref<16000xf32, #tpu.memory_space<vmem>>, %arg6: memref<16000xf32, #tpu.memory_space<vmem>>, %arg7: memref<!tpu.dma_semaphore, #tpu.memory_space<semaphore_mem>>, %arg8: memref<!tpu.dma_semaphore, #tpu.memory_space<semaphore_mem>>) attributes {dimension_semantics = [#tpu.dimension_semantics<core_parallel>, #tpu.dimension_semantics<subcore_parallel>], iteration_bounds = array<i64: 2, 16>, scalar_prefetch = 0 : i64, scratch_operands = 5 : i64, tpu.core_type = #tpu.core_type<sc_vector_subcore>, window_params = [{transform_indices = #map}, {transform_indices = #map}]} {
    %mul3A = arith.constant 2 : i32
    %mul3A_0 = arith.muli %arg1, %mul3A : i32
    %add3A = arith.addi %mul3A_0, %arg0 : i32
    %mul3A_1 = arith.constant 512 : i32
    %mul3A_2 = arith.muli %add3A, %mul3A_1 : i32
    "tpu.region"() ({
      %run_scoped3A = tpu.sem_alloc : memref<!tpu.dma_semaphore, #tpu.memory_space<semaphore_mem>>
      %dma_start3A_363 = tpu.memref_slice %arg2[%mul3A_2] : memref<16384xi32, #tpu.memory_space<hbm>> -> memref<512xi32, #tpu.memory_space<hbm>>
      %dma_start3A_364 = tpu.memref_slice %arg2[%mul3A_2] : memref<16384xi32, #tpu.memory_space<hbm>> -> memref<512xi32, #tpu.memory_space<hbm>>
      tpu.enqueue_dma source(%dma_start3A_364 : memref<512xi32, #tpu.memory_space<hbm>>) target(%arg4 : memref<512xi32, #tpu.memory_space<vmem>>) target_semaphore(%run_scoped3A : memref<!tpu.dma_semaphore, #tpu.memory_space<semaphore_mem>>)
      %dma_wait3A_365 = tpu.memref_slice %arg2[%mul3A_2] : memref<16384xi32, #tpu.memory_space<hbm>> -> memref<512xi32, #tpu.memory_space<hbm>>
      %dma_wait3A_366 = tpu.memref_slice %arg2[%mul3A_2] : memref<16384xi32, #tpu.memory_space<hbm>> -> memref<512xi32, #tpu.memory_space<hbm>>
      tpu.wait_dma2 semaphore(%run_scoped3A : memref<!tpu.dma_semaphore, #tpu.memory_space<semaphore_mem>>) src(%dma_wait3A_366 : memref<512xi32, #tpu.memory_space<hbm>>) dst(%arg4 : memref<512xi32, #tpu.memory_space<vmem>>)
      tpu.yield
    }) : () -> ()
    %broadcast_in_dim3A = arith.constant 9.99999974E-5 : f32
    %broadcast_in_dim3A_3 = vector.broadcast %broadcast_in_dim3A : f32 to vector<16xf32>
    %broadcast_in_dim3A_4 = arith.constant 9.001000e-01 : f32
    %broadcast_in_dim3A_5 = vector.broadcast %broadcast_in_dim3A_4 : f32 to vector<16xf32>
    %scan3A = arith.constant 0 : i32
    %scan3A_6 = arith.constant 0 : i32
    %scan3A_7 = arith.constant 1000 : i32
    %scan3A_8 = arith.addi %scan3A_6, %scan3A_7 : i32
    %scan3A_9 = arith.constant 1 : i32
    scf.for %scan3A_363 = %scan3A_6 to %scan3A_8 step %scan3A_9  : i32 {
      %mul3A_364 = arith.constant 16 : i32
      %mul3A_365 = arith.muli %scan3A_363, %mul3A_364 : i32
      %swap3A = arith.index_cast %mul3A_365 : i32 to index
      %swap3A_366 = tpu.vector_load %arg5[%swap3A] {strides = array<i32>} : memref<16000xf32, #tpu.memory_space<vmem>>, vector<16xf32>,
      tpu.vector_store %arg5[%swap3A], %broadcast_in_dim3A_3 {strides = array<i32>} : memref<16000xf32, #tpu.memory_space<vmem>>, vector<16xf32>,
      %mul3A_367 = arith.constant 16 : i32
      %mul3A_368 = arith.muli %scan3A_363, %mul3A_367 : i32
      %swap3A_369 = arith.index_cast %mul3A_368 : i32 to index
      %swap3A_370 = tpu.vector_load %arg6[%swap3A_369] {strides = array<i32>} : memref<16000xf32, #tpu.memory_space<vmem>>, vector<16xf32>,
      tpu.vector_store %arg6[%swap3A_369], %broadcast_in_dim3A_3 {strides = array<i32>} : memref<16000xf32, #tpu.memory_space<vmem>>, vector<16xf32>,
    }
    %scan3A_10 = arith.constant 1000 : i32
    %iota3A = tpu.iota {dimensions = array<i32: 0>} : vector<16xi32>
    %mul3A_11 = arith.constant 1000 : i32
    %mul3A_12 = vector.broadcast %mul3A_11 : i32 to vector<16xi32>
    %mul3A_13 = arith.muli %iota3A, %mul3A_12 : vector<16xi32>
    %get3A = arith.constant 0 : index
    %get3A_14 = tpu.vector_load %arg4[%get3A] {strides = array<i32>} : memref<512xi32, #tpu.memory_space<vmem>>, vector<16xi32>,
    %add3A_15 = arith.addi %mul3A_13, %get3A_14 : vector<16xi32>
    tpu.vector_store_idx %arg5[%add3A_15], %broadcast_in_dim3A_5 : memref<16000xf32, #tpu.memory_space<vmem>>[vector<16xi32>], vector<16xf32>,
    %add3A_16 = arith.constant 0 : i32
    %add3A_17 = arith.addi %mul3A_2, %add3A_16 : i32
    %mul3A_18 = arith.constant 1000 : i32
    %mul3A_19 = arith.muli %add3A_17, %mul3A_18 : i32
    %dma_start3A = tpu.memref_slice %arg3[%mul3A_19] : memref<16384000xf32, #tpu.memory_space<hbm>> -> memref<16000xf32, #tpu.memory_space<hbm>>
    %dma_start3A_20 = tpu.memref_slice %arg3[%mul3A_19] : memref<16384000xf32, #tpu.memory_space<hbm>> -> memref<16000xf32, #tpu.memory_space<hbm>>
    tpu.enqueue_dma source(%arg5 : memref<16000xf32, #tpu.memory_space<vmem>>) target(%dma_start3A_20 : memref<16000xf32, #tpu.memory_space<hbm>>) target_semaphore(%arg7 : memref<!tpu.dma_semaphore, #tpu.memory_space<semaphore_mem>>)
    %get3A_21 = arith.constant 16 : index
    %get3A_22 = tpu.vector_load %arg4[%get3A_21] {strides = array<i32>} : memref<512xi32, #tpu.memory_space<vmem>>, vector<16xi32>,
    %add3A_23 = arith.addi %mul3A_13, %get3A_22 : vector<16xi32>
    tpu.vector_store_idx %arg6[%add3A_23], %broadcast_in_dim3A_5 : memref<16000xf32, #tpu.memory_space<vmem>>[vector<16xi32>], vector<16xf32>,
    %add3A_24 = arith.constant 16 : i32
    %add3A_25 = arith.addi %mul3A_2, %add3A_24 : i32
    %mul3A_26 = arith.constant 1000 : i32
    %mul3A_27 = arith.muli %add3A_25, %mul3A_26 : i32
    %dma_start3A_28 = tpu.memref_slice %arg3[%mul3A_27] : memref<16384000xf32, #tpu.memory_space<hbm>> -> memref<16000xf32, #tpu.memory_space<hbm>>
    %dma_start3A_29 = tpu.memref_slice %arg3[%mul3A_27] : memref<16384000xf32, #tpu.memory_space<hbm>> -> memref<16000xf32, #tpu.memory_space<hbm>>
    tpu.enqueue_dma source(%arg6 : memref<16000xf32, #tpu.memory_space<vmem>>) target(%dma_start3A_29 : memref<16000xf32, #tpu.memory_space<hbm>>) target_semaphore(%arg8 : memref<!tpu.dma_semaphore, #tpu.memory_space<semaphore_mem>>)
    %dma_wait3A = tpu.memref_slice %arg3[%mul3A_19] : memref<16384000xf32, #tpu.memory_space<hbm>> -> memref<16000xf32, #tpu.memory_space<hbm>>
    %dma_wait3A_30 = tpu.memref_slice %arg3[%mul3A_19] : memref<16384000xf32, #tpu.memory_space<hbm>> -> memref<16000xf32, #tpu.memory_space<hbm>>
    tpu.wait_dma2 semaphore(%arg7 : memref<!tpu.dma_semaphore, #tpu.memory_space<semaphore_mem>>) src(%arg5 : memref<16000xf32, #tpu.memory_space<vmem>>) dst(%dma_wait3A_30 : memref<16000xf32, #tpu.memory_space<hbm>>)
    tpu.vector_store_idx %arg5[%add3A_15], %broadcast_in_dim3A_3 : memref<16000xf32, #tpu.memory_space<vmem>>[vector<16xi32>], vector<16xf32>,
    %get3A_31 = arith.constant 32 : index
    %get3A_32 = tpu.vector_load %arg4[%get3A_31] {strides = array<i32>} : memref<512xi32, #tpu.memory_space<vmem>>, vector<16xi32>,
    %add3A_33 = arith.addi %mul3A_13, %get3A_32 : vector<16xi32>
    tpu.vector_store_idx %arg5[%add3A_33], %broadcast_in_dim3A_5 : memref<16000xf32, #tpu.memory_space<vmem>>[vector<16xi32>], vector<16xf32>,
    %add3A_34 = arith.constant 32 : i32
    %add3A_35 = arith.addi %mul3A_2, %add3A_34 : i32
    %mul3A_36 = arith.constant 1000 : i32
    %mul3A_37 = arith.muli %add3A_35, %mul3A_36 : i32
    %dma_start3A_38 = tpu.memref_slice %arg3[%mul3A_37] : memref<16384000xf32, #tpu.memory_space<hbm>> -> memref<16000xf32, #tpu.memory_space<hbm>>
    %dma_start3A_39 = tpu.memref_slice %arg3[%mul3A_37] : memref<16384000xf32, #tpu.memory_space<hbm>> -> memref<16000xf32, #tpu.memory_space<hbm>>
    tpu.enqueue_dma source(%arg5 : memref<16000xf32, #tpu.memory_space<vmem>>) target(%dma_start3A_39 : memref<16000xf32, #tpu.memory_space<hbm>>) target_semaphore(%arg7 : memref<!tpu.dma_semaphore, #tpu.memory_space<semaphore_mem>>)
    %dma_wait3A_40 = tpu.memref_slice %arg3[%mul3A_27] : memref<16384000xf32, #tpu.memory_space<hbm>> -> memref<16000xf32, #tpu.memory_space<hbm>>
    %dma_wait3A_41 = tpu.memref_slice %arg3[%mul3A_27] : memref<16384000xf32, #tpu.memory_space<hbm>> -> memref<16000xf32, #tpu.memory_space<hbm>>
    tpu.wait_dma2 semaphore(%arg8 : memref<!tpu.dma_semaphore, #tpu.memory_space<semaphore_mem>>) src(%arg6 : memref<16000xf32, #tpu.memory_space<vmem>>) dst(%dma_wait3A_41 : memref<16000xf32, #tpu.memory_space<hbm>>)
    tpu.vector_store_idx %arg6[%add3A_23], %broadcast_in_dim3A_3 : memref<16000xf32, #tpu.memory_space<vmem>>[vector<16xi32>], vector<16xf32>,
    %get3A_42 = arith.constant 48 : index
    %get3A_43 = tpu.vector_load %arg4[%get3A_42] {strides = array<i32>} : memref<512xi32, #tpu.memory_space<vmem>>, vector<16xi32>,
    %add3A_44 = arith.addi %mul3A_13, %get3A_43 : vector<16xi32>
    tpu.vector_store_idx %arg6[%add3A_44], %broadcast_in_dim3A_5 : memref<16000xf32, #tpu.memory_space<vmem>>[vector<16xi32>], vector<16xf32>,
    %add3A_45 = arith.constant 48 : i32
    %add3A_46 = arith.addi %mul3A_2, %add3A_45 : i32
    %mul3A_47 = arith.constant 1000 : i32
    %mul3A_48 = arith.muli %add3A_46, %mul3A_47 : i32
    %dma_start3A_49 = tpu.memref_slice %arg3[%mul3A_48] : memref<16384000xf32, #tpu.memory_space<hbm>> -> memref<16000xf32, #tpu.memory_space<hbm>>
    %dma_start3A_50 = tpu.memref_slice %arg3[%mul3A_48] : memref<16384000xf32, #tpu.memory_space<hbm>> -> memref<16000xf32, #tpu.memory_space<hbm>>
    tpu.enqueue_dma source(%arg6 : memref<16000xf32, #tpu.memory_space<vmem>>) target(%dma_start3A_50 : memref<16000xf32, #tpu.memory_space<hbm>>) target_semaphore(%arg8 : memref<!tpu.dma_semaphore, #tpu.memory_space<semaphore_mem>>)
    %dma_wait3A_51 = tpu.memref_slice %arg3[%mul3A_37] : memref<16384000xf32, #tpu.memory_space<hbm>> -> memref<16000xf32, #tpu.memory_space<hbm>>
    %dma_wait3A_52 = tpu.memref_slice %arg3[%mul3A_37] : memref<16384000xf32, #tpu.memory_space<hbm>> -> memref<16000xf32, #tpu.memory_space<hbm>>
    tpu.wait_dma2 semaphore(%arg7 : memref<!tpu.dma_semaphore, #tpu.memory_space<semaphore_mem>>) src(%arg5 : memref<16000xf32, #tpu.memory_space<vmem>>) dst(%dma_wait3A_52 : memref<16000xf32, #tpu.memory_space<hbm>>)
    tpu.vector_store_idx %arg5[%add3A_33], %broadcast_in_dim3A_3 : memref<16000xf32, #tpu.memory_space<vmem>>[vector<16xi32>], vector<16xf32>,
    %get3A_53 = arith.constant 64 : index
    %get3A_54 = tpu.vector_load %arg4[%get3A_53] {strides = array<i32>} : memref<512xi32, #tpu.memory_space<vmem>>, vector<16xi32>,
    %add3A_55 = arith.addi %mul3A_13, %get3A_54 : vector<16xi32>
    tpu.vector_store_idx %arg5[%add3A_55], %broadcast_in_dim3A_5 : memref<16000xf32, #tpu.memory_space<vmem>>[vector<16xi32>], vector<16xf32>,
    %add3A_56 = arith.constant 64 : i32
    %add3A_57 = arith.addi %mul3A_2, %add3A_56 : i32
    %mul3A_58 = arith.constant 1000 : i32
    %mul3A_59 = arith.muli %add3A_57, %mul3A_58 : i32
    %dma_start3A_60 = tpu.memref_slice %arg3[%mul3A_59] : memref<16384000xf32, #tpu.memory_space<hbm>> -> memref<16000xf32, #tpu.memory_space<hbm>>
    %dma_start3A_61 = tpu.memref_slice %arg3[%mul3A_59] : memref<16384000xf32, #tpu.memory_space<hbm>> -> memref<16000xf32, #tpu.memory_space<hbm>>
    tpu.enqueue_dma source(%arg5 : memref<16000xf32, #tpu.memory_space<vmem>>) target(%dma_start3A_61 : memref<16000xf32, #tpu.memory_space<hbm>>) target_semaphore(%arg7 : memref<!tpu.dma_semaphore, #tpu.memory_space<semaphore_mem>>)
    %dma_wait3A_62 = tpu.memref_slice %arg3[%mul3A_48] : memref<16384000xf32, #tpu.memory_space<hbm>> -> memref<16000xf32, #tpu.memory_space<hbm>>
    %dma_wait3A_63 = tpu.memref_slice %arg3[%mul3A_48] : memref<16384000xf32, #tpu.memory_space<hbm>> -> memref<16000xf32, #tpu.memory_space<hbm>>
    tpu.wait_dma2 semaphore(%arg8 : memref<!tpu.dma_semaphore, #tpu.memory_space<semaphore_mem>>) src(%arg6 : memref<16000xf32, #tpu.memory_space<vmem>>) dst(%dma_wait3A_63 : memref<16000xf32, #tpu.memory_space<hbm>>)
    tpu.vector_store_idx %arg6[%add3A_44], %broadcast_in_dim3A_3 : memref<16000xf32, #tpu.memory_space<vmem>>[vector<16xi32>], vector<16xf32>,
    %get3A_64 = arith.constant 80 : index
    %get3A_65 = tpu.vector_load %arg4[%get3A_64] {strides = array<i32>} : memref<512xi32, #tpu.memory_space<vmem>>, vector<16xi32>,
    %add3A_66 = arith.addi %mul3A_13, %get3A_65 : vector<16xi32>
    tpu.vector_store_idx %arg6[%add3A_66], %broadcast_in_dim3A_5 : memref<16000xf32, #tpu.memory_space<vmem>>[vector<16xi32>], vector<16xf32>,
    %add3A_67 = arith.constant 80 : i32
    %add3A_68 = arith.addi %mul3A_2, %add3A_67 : i32
    %mul3A_69 = arith.constant 1000 : i32
    %mul3A_70 = arith.muli %add3A_68, %mul3A_69 : i32
    %dma_start3A_71 = tpu.memref_slice %arg3[%mul3A_70] : memref<16384000xf32, #tpu.memory_space<hbm>> -> memref<16000xf32, #tpu.memory_space<hbm>>
    %dma_start3A_72 = tpu.memref_slice %arg3[%mul3A_70] : memref<16384000xf32, #tpu.memory_space<hbm>> -> memref<16000xf32, #tpu.memory_space<hbm>>
    tpu.enqueue_dma source(%arg6 : memref<16000xf32, #tpu.memory_space<vmem>>) target(%dma_start3A_72 : memref<16000xf32, #tpu.memory_space<hbm>>) target_semaphore(%arg8 : memref<!tpu.dma_semaphore, #tpu.memory_space<semaphore_mem>>)
    %dma_wait3A_73 = tpu.memref_slice %arg3[%mul3A_59] : memref<16384000xf32, #tpu.memory_space<hbm>> -> memref<16000xf32, #tpu.memory_space<hbm>>
    %dma_wait3A_74 = tpu.memref_slice %arg3[%mul3A_59] : memref<16384000xf32, #tpu.memory_space<hbm>> -> memref<16000xf32, #tpu.memory_space<hbm>>
    tpu.wait_dma2 semaphore(%arg7 : memref<!tpu.dma_semaphore, #tpu.memory_space<semaphore_mem>>) src(%arg5 : memref<16000xf32, #tpu.memory_space<vmem>>) dst(%dma_wait3A_74 : memref<16000xf32, #tpu.memory_space<hbm>>)
    tpu.vector_store_idx %arg5[%add3A_55], %broadcast_in_dim3A_3 : memref<16000xf32, #tpu.memory_space<vmem>>[vector<16xi32>], vector<16xf32>,
    %get3A_75 = arith.constant 96 : index
    %get3A_76 = tpu.vector_load %arg4[%get3A_75] {strides = array<i32>} : memref<512xi32, #tpu.memory_space<vmem>>, vector<16xi32>,
    %add3A_77 = arith.addi %mul3A_13, %get3A_76 : vector<16xi32>
    tpu.vector_store_idx %arg5[%add3A_77], %broadcast_in_dim3A_5 : memref<16000xf32, #tpu.memory_space<vmem>>[vector<16xi32>], vector<16xf32>,
    %add3A_78 = arith.constant 96 : i32
    %add3A_79 = arith.addi %mul3A_2, %add3A_78 : i32
    %mul3A_80 = arith.constant 1000 : i32
    %mul3A_81 = arith.muli %add3A_79, %mul3A_80 : i32
    %dma_start3A_82 = tpu.memref_slice %arg3[%mul3A_81] : memref<16384000xf32, #tpu.memory_space<hbm>> -> memref<16000xf32, #tpu.memory_space<hbm>>
    %dma_start3A_83 = tpu.memref_slice %arg3[%mul3A_81] : memref<16384000xf32, #tpu.memory_space<hbm>> -> memref<16000xf32, #tpu.memory_space<hbm>>
    tpu.enqueue_dma source(%arg5 : memref<16000xf32, #tpu.memory_space<vmem>>) target(%dma_start3A_83 : memref<16000xf32, #tpu.memory_space<hbm>>) target_semaphore(%arg7 : memref<!tpu.dma_semaphore, #tpu.memory_space<semaphore_mem>>)
    %dma_wait3A_84 = tpu.memref_slice %arg3[%mul3A_70] : memref<16384000xf32, #tpu.memory_space<hbm>> -> memref<16000xf32, #tpu.memory_space<hbm>>
    %dma_wait3A_85 = tpu.memref_slice %arg3[%mul3A_70] : memref<16384000xf32, #tpu.memory_space<hbm>> -> memref<16000xf32, #tpu.memory_space<hbm>>
    tpu.wait_dma2 semaphore(%arg8 : memref<!tpu.dma_semaphore, #tpu.memory_space<semaphore_mem>>) src(%arg6 : memref<16000xf32, #tpu.memory_space<vmem>>) dst(%dma_wait3A_85 : memref<16000xf32, #tpu.memory_space<hbm>>)
    tpu.vector_store_idx %arg6[%add3A_66], %broadcast_in_dim3A_3 : memref<16000xf32, #tpu.memory_space<vmem>>[vector<16xi32>], vector<16xf32>,
    %get3A_86 = arith.constant 112 : index
    %get3A_87 = tpu.vector_load %arg4[%get3A_86] {strides = array<i32>} : memref<512xi32, #tpu.memory_space<vmem>>, vector<16xi32>,
    %add3A_88 = arith.addi %mul3A_13, %get3A_87 : vector<16xi32>
    tpu.vector_store_idx %arg6[%add3A_88], %broadcast_in_dim3A_5 : memref<16000xf32, #tpu.memory_space<vmem>>[vector<16xi32>], vector<16xf32>,
    %add3A_89 = arith.constant 112 : i32
    %add3A_90 = arith.addi %mul3A_2, %add3A_89 : i32
    %mul3A_91 = arith.constant 1000 : i32
    %mul3A_92 = arith.muli %add3A_90, %mul3A_91 : i32
    %dma_start3A_93 = tpu.memref_slice %arg3[%mul3A_92] : memref<16384000xf32, #tpu.memory_space<hbm>> -> memref<16000xf32, #tpu.memory_space<hbm>>
    %dma_start3A_94 = tpu.memref_slice %arg3[%mul3A_92] : memref<16384000xf32, #tpu.memory_space<hbm>> -> memref<16000xf32, #tpu.memory_space<hbm>>
    tpu.enqueue_dma source(%arg6 : memref<16000xf32, #tpu.memory_space<vmem>>) target(%dma_start3A_94 : memref<16000xf32, #tpu.memory_space<hbm>>) target_semaphore(%arg8 : memref<!tpu.dma_semaphore, #tpu.memory_space<semaphore_mem>>)
    %dma_wait3A_95 = tpu.memref_slice %arg3[%mul3A_81] : memref<16384000xf32, #tpu.memory_space<hbm>> -> memref<16000xf32, #tpu.memory_space<hbm>>
    %dma_wait3A_96 = tpu.memref_slice %arg3[%mul3A_81] : memref<16384000xf32, #tpu.memory_space<hbm>> -> memref<16000xf32, #tpu.memory_space<hbm>>
    tpu.wait_dma2 semaphore(%arg7 : memref<!tpu.dma_semaphore, #tpu.memory_space<semaphore_mem>>) src(%arg5 : memref<16000xf32, #tpu.memory_space<vmem>>) dst(%dma_wait3A_96 : memref<16000xf32, #tpu.memory_space<hbm>>)
    tpu.vector_store_idx %arg5[%add3A_77], %broadcast_in_dim3A_3 : memref<16000xf32, #tpu.memory_space<vmem>>[vector<16xi32>], vector<16xf32>,
    %get3A_97 = arith.constant 128 : index
    %get3A_98 = tpu.vector_load %arg4[%get3A_97] {strides = array<i32>} : memref<512xi32, #tpu.memory_space<vmem>>, vector<16xi32>,
    %add3A_99 = arith.addi %mul3A_13, %get3A_98 : vector<16xi32>
    tpu.vector_store_idx %arg5[%add3A_99], %broadcast_in_dim3A_5 : memref<16000xf32, #tpu.memory_space<vmem>>[vector<16xi32>], vector<16xf32>,
    %add3A_100 = arith.constant 128 : i32
    %add3A_101 = arith.addi %mul3A_2, %add3A_100 : i32
    %mul3A_102 = arith.constant 1000 : i32
    %mul3A_103 = arith.muli %add3A_101, %mul3A_102 : i32
    %dma_start3A_104 = tpu.memref_slice %arg3[%mul3A_103] : memref<16384000xf32, #tpu.memory_space<hbm>> -> memref<16000xf32, #tpu.memory_space<hbm>>
    %dma_start3A_105 = tpu.memref_slice %arg3[%mul3A_103] : memref<16384000xf32, #tpu.memory_space<hbm>> -> memref<16000xf32, #tpu.memory_space<hbm>>
    tpu.enqueue_dma source(%arg5 : memref<16000xf32, #tpu.memory_space<vmem>>) target(%dma_start3A_105 : memref<16000xf32, #tpu.memory_space<hbm>>) target_semaphore(%arg7 : memref<!tpu.dma_semaphore, #tpu.memory_space<semaphore_mem>>)
    %dma_wait3A_106 = tpu.memref_slice %arg3[%mul3A_92] : memref<16384000xf32, #tpu.memory_space<hbm>> -> memref<16000xf32, #tpu.memory_space<hbm>>
    %dma_wait3A_107 = tpu.memref_slice %arg3[%mul3A_92] : memref<16384000xf32, #tpu.memory_space<hbm>> -> memref<16000xf32, #tpu.memory_space<hbm>>
    tpu.wait_dma2 semaphore(%arg8 : memref<!tpu.dma_semaphore, #tpu.memory_space<semaphore_mem>>) src(%arg6 : memref<16000xf32, #tpu.memory_space<vmem>>) dst(%dma_wait3A_107 : memref<16000xf32, #tpu.memory_space<hbm>>)
    tpu.vector_store_idx %arg6[%add3A_88], %broadcast_in_dim3A_3 : memref<16000xf32, #tpu.memory_space<vmem>>[vector<16xi32>], vector<16xf32>,
    %get3A_108 = arith.constant 144 : index
    %get3A_109 = tpu.vector_load %arg4[%get3A_108] {strides = array<i32>} : memref<512xi32, #tpu.memory_space<vmem>>, vector<16xi32>,
    %add3A_110 = arith.addi %mul3A_13, %get3A_109 : vector<16xi32>
    tpu.vector_store_idx %arg6[%add3A_110], %broadcast_in_dim3A_5 : memref<16000xf32, #tpu.memory_space<vmem>>[vector<16xi32>], vector<16xf32>,
    %add3A_111 = arith.constant 144 : i32
    %add3A_112 = arith.addi %mul3A_2, %add3A_111 : i32
    %mul3A_113 = arith.constant 1000 : i32
    %mul3A_114 = arith.muli %add3A_112, %mul3A_113 : i32
    %dma_start3A_115 = tpu.memref_slice %arg3[%mul3A_114] : memref<16384000xf32, #tpu.memory_space<hbm>> -> memref<16000xf32, #tpu.memory_space<hbm>>
    %dma_start3A_116 = tpu.memref_slice %arg3[%mul3A_114] : memref<16384000xf32, #tpu.memory_space<hbm>> -> memref<16000xf32, #tpu.memory_space<hbm>>
    tpu.enqueue_dma source(%arg6 : memref<16000xf32, #tpu.memory_space<vmem>>) target(%dma_start3A_116 : memref<16000xf32, #tpu.memory_space<hbm>>) target_semaphore(%arg8 : memref<!tpu.dma_semaphore, #tpu.memory_space<semaphore_mem>>)
    %dma_wait3A_117 = tpu.memref_slice %arg3[%mul3A_103] : memref<16384000xf32, #tpu.memory_space<hbm>> -> memref<16000xf32, #tpu.memory_space<hbm>>
    %dma_wait3A_118 = tpu.memref_slice %arg3[%mul3A_103] : memref<16384000xf32, #tpu.memory_space<hbm>> -> memref<16000xf32, #tpu.memory_space<hbm>>
    tpu.wait_dma2 semaphore(%arg7 : memref<!tpu.dma_semaphore, #tpu.memory_space<semaphore_mem>>) src(%arg5 : memref<16000xf32, #tpu.memory_space<vmem>>) dst(%dma_wait3A_118 : memref<16000xf32, #tpu.memory_space<hbm>>)
    tpu.vector_store_idx %arg5[%add3A_99], %broadcast_in_dim3A_3 : memref<16000xf32, #tpu.memory_space<vmem>>[vector<16xi32>], vector<16xf32>,
    %get3A_119 = arith.constant 160 : index
    %get3A_120 = tpu.vector_load %arg4[%get3A_119] {strides = array<i32>} : memref<512xi32, #tpu.memory_space<vmem>>, vector<16xi32>,
    %add3A_121 = arith.addi %mul3A_13, %get3A_120 : vector<16xi32>
    tpu.vector_store_idx %arg5[%add3A_121], %broadcast_in_dim3A_5 : memref<16000xf32, #tpu.memory_space<vmem>>[vector<16xi32>], vector<16xf32>,
    %add3A_122 = arith.constant 160 : i32
    %add3A_123 = arith.addi %mul3A_2, %add3A_122 : i32
    %mul3A_124 = arith.constant 1000 : i32
    %mul3A_125 = arith.muli %add3A_123, %mul3A_124 : i32
    %dma_start3A_126 = tpu.memref_slice %arg3[%mul3A_125] : memref<16384000xf32, #tpu.memory_space<hbm>> -> memref<16000xf32, #tpu.memory_space<hbm>>
    %dma_start3A_127 = tpu.memref_slice %arg3[%mul3A_125] : memref<16384000xf32, #tpu.memory_space<hbm>> -> memref<16000xf32, #tpu.memory_space<hbm>>
    tpu.enqueue_dma source(%arg5 : memref<16000xf32, #tpu.memory_space<vmem>>) target(%dma_start3A_127 : memref<16000xf32, #tpu.memory_space<hbm>>) target_semaphore(%arg7 : memref<!tpu.dma_semaphore, #tpu.memory_space<semaphore_mem>>)
    %dma_wait3A_128 = tpu.memref_slice %arg3[%mul3A_114] : memref<16384000xf32, #tpu.memory_space<hbm>> -> memref<16000xf32, #tpu.memory_space<hbm>>
    %dma_wait3A_129 = tpu.memref_slice %arg3[%mul3A_114] : memref<16384000xf32, #tpu.memory_space<hbm>> -> memref<16000xf32, #tpu.memory_space<hbm>>
    tpu.wait_dma2 semaphore(%arg8 : memref<!tpu.dma_semaphore, #tpu.memory_space<semaphore_mem>>) src(%arg6 : memref<16000xf32, #tpu.memory_space<vmem>>) dst(%dma_wait3A_129 : memref<16000xf32, #tpu.memory_space<hbm>>)
    tpu.vector_store_idx %arg6[%add3A_110], %broadcast_in_dim3A_3 : memref<16000xf32, #tpu.memory_space<vmem>>[vector<16xi32>], vector<16xf32>,
    %get3A_130 = arith.constant 176 : index
    %get3A_131 = tpu.vector_load %arg4[%get3A_130] {strides = array<i32>} : memref<512xi32, #tpu.memory_space<vmem>>, vector<16xi32>,
    %add3A_132 = arith.addi %mul3A_13, %get3A_131 : vector<16xi32>
    tpu.vector_store_idx %arg6[%add3A_132], %broadcast_in_dim3A_5 : memref<16000xf32, #tpu.memory_space<vmem>>[vector<16xi32>], vector<16xf32>,
    %add3A_133 = arith.constant 176 : i32
    %add3A_134 = arith.addi %mul3A_2, %add3A_133 : i32
    %mul3A_135 = arith.constant 1000 : i32
    %mul3A_136 = arith.muli %add3A_134, %mul3A_135 : i32
    %dma_start3A_137 = tpu.memref_slice %arg3[%mul3A_136] : memref<16384000xf32, #tpu.memory_space<hbm>> -> memref<16000xf32, #tpu.memory_space<hbm>>
    %dma_start3A_138 = tpu.memref_slice %arg3[%mul3A_136] : memref<16384000xf32, #tpu.memory_space<hbm>> -> memref<16000xf32, #tpu.memory_space<hbm>>
    tpu.enqueue_dma source(%arg6 : memref<16000xf32, #tpu.memory_space<vmem>>) target(%dma_start3A_138 : memref<16000xf32, #tpu.memory_space<hbm>>) target_semaphore(%arg8 : memref<!tpu.dma_semaphore, #tpu.memory_space<semaphore_mem>>)
    %dma_wait3A_139 = tpu.memref_slice %arg3[%mul3A_125] : memref<16384000xf32, #tpu.memory_space<hbm>> -> memref<16000xf32, #tpu.memory_space<hbm>>
    %dma_wait3A_140 = tpu.memref_slice %arg3[%mul3A_125] : memref<16384000xf32, #tpu.memory_space<hbm>> -> memref<16000xf32, #tpu.memory_space<hbm>>
    tpu.wait_dma2 semaphore(%arg7 : memref<!tpu.dma_semaphore, #tpu.memory_space<semaphore_mem>>) src(%arg5 : memref<16000xf32, #tpu.memory_space<vmem>>) dst(%dma_wait3A_140 : memref<16000xf32, #tpu.memory_space<hbm>>)
    tpu.vector_store_idx %arg5[%add3A_121], %broadcast_in_dim3A_3 : memref<16000xf32, #tpu.memory_space<vmem>>[vector<16xi32>], vector<16xf32>,
    %get3A_141 = arith.constant 192 : index
    %get3A_142 = tpu.vector_load %arg4[%get3A_141] {strides = array<i32>} : memref<512xi32, #tpu.memory_space<vmem>>, vector<16xi32>,
    %add3A_143 = arith.addi %mul3A_13, %get3A_142 : vector<16xi32>
    tpu.vector_store_idx %arg5[%add3A_143], %broadcast_in_dim3A_5 : memref<16000xf32, #tpu.memory_space<vmem>>[vector<16xi32>], vector<16xf32>,
    %add3A_144 = arith.constant 192 : i32
    %add3A_145 = arith.addi %mul3A_2, %add3A_144 : i32
    %mul3A_146 = arith.constant 1000 : i32
    %mul3A_147 = arith.muli %add3A_145, %mul3A_146 : i32
    %dma_start3A_148 = tpu.memref_slice %arg3[%mul3A_147] : memref<16384000xf32, #tpu.memory_space<hbm>> -> memref<16000xf32, #tpu.memory_space<hbm>>
    %dma_start3A_149 = tpu.memref_slice %arg3[%mul3A_147] : memref<16384000xf32, #tpu.memory_space<hbm>> -> memref<16000xf32, #tpu.memory_space<hbm>>
    tpu.enqueue_dma source(%arg5 : memref<16000xf32, #tpu.memory_space<vmem>>) target(%dma_start3A_149 : memref<16000xf32, #tpu.memory_space<hbm>>) target_semaphore(%arg7 : memref<!tpu.dma_semaphore, #tpu.memory_space<semaphore_mem>>)
    %dma_wait3A_150 = tpu.memref_slice %arg3[%mul3A_136] : memref<16384000xf32, #tpu.memory_space<hbm>> -> memref<16000xf32, #tpu.memory_space<hbm>>
    %dma_wait3A_151 = tpu.memref_slice %arg3[%mul3A_136] : memref<16384000xf32, #tpu.memory_space<hbm>> -> memref<16000xf32, #tpu.memory_space<hbm>>
    tpu.wait_dma2 semaphore(%arg8 : memref<!tpu.dma_semaphore, #tpu.memory_space<semaphore_mem>>) src(%arg6 : memref<16000xf32, #tpu.memory_space<vmem>>) dst(%dma_wait3A_151 : memref<16000xf32, #tpu.memory_space<hbm>>)
    tpu.vector_store_idx %arg6[%add3A_132], %broadcast_in_dim3A_3 : memref<16000xf32, #tpu.memory_space<vmem>>[vector<16xi32>], vector<16xf32>,
    %get3A_152 = arith.constant 208 : index
    %get3A_153 = tpu.vector_load %arg4[%get3A_152] {strides = array<i32>} : memref<512xi32, #tpu.memory_space<vmem>>, vector<16xi32>,
    %add3A_154 = arith.addi %mul3A_13, %get3A_153 : vector<16xi32>
    tpu.vector_store_idx %arg6[%add3A_154], %broadcast_in_dim3A_5 : memref<16000xf32, #tpu.memory_space<vmem>>[vector<16xi32>], vector<16xf32>,
    %add3A_155 = arith.constant 208 : i32
    %add3A_156 = arith.addi %mul3A_2, %add3A_155 : i32
    %mul3A_157 = arith.constant 1000 : i32
    %mul3A_158 = arith.muli %add3A_156, %mul3A_157 : i32
    %dma_start3A_159 = tpu.memref_slice %arg3[%mul3A_158] : memref<16384000xf32, #tpu.memory_space<hbm>> -> memref<16000xf32, #tpu.memory_space<hbm>>
    %dma_start3A_160 = tpu.memref_slice %arg3[%mul3A_158] : memref<16384000xf32, #tpu.memory_space<hbm>> -> memref<16000xf32, #tpu.memory_space<hbm>>
    tpu.enqueue_dma source(%arg6 : memref<16000xf32, #tpu.memory_space<vmem>>) target(%dma_start3A_160 : memref<16000xf32, #tpu.memory_space<hbm>>) target_semaphore(%arg8 : memref<!tpu.dma_semaphore, #tpu.memory_space<semaphore_mem>>)
    %dma_wait3A_161 = tpu.memref_slice %arg3[%mul3A_147] : memref<16384000xf32, #tpu.memory_space<hbm>> -> memref<16000xf32, #tpu.memory_space<hbm>>
    %dma_wait3A_162 = tpu.memref_slice %arg3[%mul3A_147] : memref<16384000xf32, #tpu.memory_space<hbm>> -> memref<16000xf32, #tpu.memory_space<hbm>>
    tpu.wait_dma2 semaphore(%arg7 : memref<!tpu.dma_semaphore, #tpu.memory_space<semaphore_mem>>) src(%arg5 : memref<16000xf32, #tpu.memory_space<vmem>>) dst(%dma_wait3A_162 : memref<16000xf32, #tpu.memory_space<hbm>>)
    tpu.vector_store_idx %arg5[%add3A_143], %broadcast_in_dim3A_3 : memref<16000xf32, #tpu.memory_space<vmem>>[vector<16xi32>], vector<16xf32>,
    %get3A_163 = arith.constant 224 : index
    %get3A_164 = tpu.vector_load %arg4[%get3A_163] {strides = array<i32>} : memref<512xi32, #tpu.memory_space<vmem>>, vector<16xi32>,
    %add3A_165 = arith.addi %mul3A_13, %get3A_164 : vector<16xi32>
    tpu.vector_store_idx %arg5[%add3A_165], %broadcast_in_dim3A_5 : memref<16000xf32, #tpu.memory_space<vmem>>[vector<16xi32>], vector<16xf32>,
    %add3A_166 = arith.constant 224 : i32
    %add3A_167 = arith.addi %mul3A_2, %add3A_166 : i32
    %mul3A_168 = arith.constant 1000 : i32
    %mul3A_169 = arith.muli %add3A_167, %mul3A_168 : i32
    %dma_start3A_170 = tpu.memref_slice %arg3[%mul3A_169] : memref<16384000xf32, #tpu.memory_space<hbm>> -> memref<16000xf32, #tpu.memory_space<hbm>>
    %dma_start3A_171 = tpu.memref_slice %arg3[%mul3A_169] : memref<16384000xf32, #tpu.memory_space<hbm>> -> memref<16000xf32, #tpu.memory_space<hbm>>
    tpu.enqueue_dma source(%arg5 : memref<16000xf32, #tpu.memory_space<vmem>>) target(%dma_start3A_171 : memref<16000xf32, #tpu.memory_space<hbm>>) target_semaphore(%arg7 : memref<!tpu.dma_semaphore, #tpu.memory_space<semaphore_mem>>)
    %dma_wait3A_172 = tpu.memref_slice %arg3[%mul3A_158] : memref<16384000xf32, #tpu.memory_space<hbm>> -> memref<16000xf32, #tpu.memory_space<hbm>>
    %dma_wait3A_173 = tpu.memref_slice %arg3[%mul3A_158] : memref<16384000xf32, #tpu.memory_space<hbm>> -> memref<16000xf32, #tpu.memory_space<hbm>>
    tpu.wait_dma2 semaphore(%arg8 : memref<!tpu.dma_semaphore, #tpu.memory_space<semaphore_mem>>) src(%arg6 : memref<16000xf32, #tpu.memory_space<vmem>>) dst(%dma_wait3A_173 : memref<16000xf32, #tpu.memory_space<hbm>>)
    tpu.vector_store_idx %arg6[%add3A_154], %broadcast_in_dim3A_3 : memref<16000xf32, #tpu.memory_space<vmem>>[vector<16xi32>], vector<16xf32>,
    %get3A_174 = arith.constant 240 : index
    %get3A_175 = tpu.vector_load %arg4[%get3A_174] {strides = array<i32>} : memref<512xi32, #tpu.memory_space<vmem>>, vector<16xi32>,
    %add3A_176 = arith.addi %mul3A_13, %get3A_175 : vector<16xi32>
    tpu.vector_store_idx %arg6[%add3A_176], %broadcast_in_dim3A_5 : memref<16000xf32, #tpu.memory_space<vmem>>[vector<16xi32>], vector<16xf32>,
    %add3A_177 = arith.constant 240 : i32
    %add3A_178 = arith.addi %mul3A_2, %add3A_177 : i32
    %mul3A_179 = arith.constant 1000 : i32
    %mul3A_180 = arith.muli %add3A_178, %mul3A_179 : i32
    %dma_start3A_181 = tpu.memref_slice %arg3[%mul3A_180] : memref<16384000xf32, #tpu.memory_space<hbm>> -> memref<16000xf32, #tpu.memory_space<hbm>>
    %dma_start3A_182 = tpu.memref_slice %arg3[%mul3A_180] : memref<16384000xf32, #tpu.memory_space<hbm>> -> memref<16000xf32, #tpu.memory_space<hbm>>
    tpu.enqueue_dma source(%arg6 : memref<16000xf32, #tpu.memory_space<vmem>>) target(%dma_start3A_182 : memref<16000xf32, #tpu.memory_space<hbm>>) target_semaphore(%arg8 : memref<!tpu.dma_semaphore, #tpu.memory_space<semaphore_mem>>)
    %dma_wait3A_183 = tpu.memref_slice %arg3[%mul3A_169] : memref<16384000xf32, #tpu.memory_space<hbm>> -> memref<16000xf32, #tpu.memory_space<hbm>>
    %dma_wait3A_184 = tpu.memref_slice %arg3[%mul3A_169] : memref<16384000xf32, #tpu.memory_space<hbm>> -> memref<16000xf32, #tpu.memory_space<hbm>>
    tpu.wait_dma2 semaphore(%arg7 : memref<!tpu.dma_semaphore, #tpu.memory_space<semaphore_mem>>) src(%arg5 : memref<16000xf32, #tpu.memory_space<vmem>>) dst(%dma_wait3A_184 : memref<16000xf32, #tpu.memory_space<hbm>>)
    tpu.vector_store_idx %arg5[%add3A_165], %broadcast_in_dim3A_3 : memref<16000xf32, #tpu.memory_space<vmem>>[vector<16xi32>], vector<16xf32>,
    %get3A_185 = arith.constant 256 : index
    %get3A_186 = tpu.vector_load %arg4[%get3A_185] {strides = array<i32>} : memref<512xi32, #tpu.memory_space<vmem>>, vector<16xi32>,
    %add3A_187 = arith.addi %mul3A_13, %get3A_186 : vector<16xi32>
    tpu.vector_store_idx %arg5[%add3A_187], %broadcast_in_dim3A_5 : memref<16000xf32, #tpu.memory_space<vmem>>[vector<16xi32>], vector<16xf32>,
    %add3A_188 = arith.constant 256 : i32
    %add3A_189 = arith.addi %mul3A_2, %add3A_188 : i32
    %mul3A_190 = arith.constant 1000 : i32
    %mul3A_191 = arith.muli %add3A_189, %mul3A_190 : i32
    %dma_start3A_192 = tpu.memref_slice %arg3[%mul3A_191] : memref<16384000xf32, #tpu.memory_space<hbm>> -> memref<16000xf32, #tpu.memory_space<hbm>>
    %dma_start3A_193 = tpu.memref_slice %arg3[%mul3A_191] : memref<16384000xf32, #tpu.memory_space<hbm>> -> memref<16000xf32, #tpu.memory_space<hbm>>
    tpu.enqueue_dma source(%arg5 : memref<16000xf32, #tpu.memory_space<vmem>>) target(%dma_start3A_193 : memref<16000xf32, #tpu.memory_space<hbm>>) target_semaphore(%arg7 : memref<!tpu.dma_semaphore, #tpu.memory_space<semaphore_mem>>)
    %dma_wait3A_194 = tpu.memref_slice %arg3[%mul3A_180] : memref<16384000xf32, #tpu.memory_space<hbm>> -> memref<16000xf32, #tpu.memory_space<hbm>>
    %dma_wait3A_195 = tpu.memref_slice %arg3[%mul3A_180] : memref<16384000xf32, #tpu.memory_space<hbm>> -> memref<16000xf32, #tpu.memory_space<hbm>>
    tpu.wait_dma2 semaphore(%arg8 : memref<!tpu.dma_semaphore, #tpu.memory_space<semaphore_mem>>) src(%arg6 : memref<16000xf32, #tpu.memory_space<vmem>>) dst(%dma_wait3A_195 : memref<16000xf32, #tpu.memory_space<hbm>>)
    tpu.vector_store_idx %arg6[%add3A_176], %broadcast_in_dim3A_3 : memref<16000xf32, #tpu.memory_space<vmem>>[vector<16xi32>], vector<16xf32>,
    %get3A_196 = arith.constant 272 : index
    %get3A_197 = tpu.vector_load %arg4[%get3A_196] {strides = array<i32>} : memref<512xi32, #tpu.memory_space<vmem>>, vector<16xi32>,
    %add3A_198 = arith.addi %mul3A_13, %get3A_197 : vector<16xi32>
    tpu.vector_store_idx %arg6[%add3A_198], %broadcast_in_dim3A_5 : memref<16000xf32, #tpu.memory_space<vmem>>[vector<16xi32>], vector<16xf32>,
    %add3A_199 = arith.constant 272 : i32
    %add3A_200 = arith.addi %mul3A_2, %add3A_199 : i32
    %mul3A_201 = arith.constant 1000 : i32
    %mul3A_202 = arith.muli %add3A_200, %mul3A_201 : i32
    %dma_start3A_203 = tpu.memref_slice %arg3[%mul3A_202] : memref<16384000xf32, #tpu.memory_space<hbm>> -> memref<16000xf32, #tpu.memory_space<hbm>>
    %dma_start3A_204 = tpu.memref_slice %arg3[%mul3A_202] : memref<16384000xf32, #tpu.memory_space<hbm>> -> memref<16000xf32, #tpu.memory_space<hbm>>
    tpu.enqueue_dma source(%arg6 : memref<16000xf32, #tpu.memory_space<vmem>>) target(%dma_start3A_204 : memref<16000xf32, #tpu.memory_space<hbm>>) target_semaphore(%arg8 : memref<!tpu.dma_semaphore, #tpu.memory_space<semaphore_mem>>)
    %dma_wait3A_205 = tpu.memref_slice %arg3[%mul3A_191] : memref<16384000xf32, #tpu.memory_space<hbm>> -> memref<16000xf32, #tpu.memory_space<hbm>>
    %dma_wait3A_206 = tpu.memref_slice %arg3[%mul3A_191] : memref<16384000xf32, #tpu.memory_space<hbm>> -> memref<16000xf32, #tpu.memory_space<hbm>>
    tpu.wait_dma2 semaphore(%arg7 : memref<!tpu.dma_semaphore, #tpu.memory_space<semaphore_mem>>) src(%arg5 : memref<16000xf32, #tpu.memory_space<vmem>>) dst(%dma_wait3A_206 : memref<16000xf32, #tpu.memory_space<hbm>>)
    tpu.vector_store_idx %arg5[%add3A_187], %broadcast_in_dim3A_3 : memref<16000xf32, #tpu.memory_space<vmem>>[vector<16xi32>], vector<16xf32>,
    %get3A_207 = arith.constant 288 : index
    %get3A_208 = tpu.vector_load %arg4[%get3A_207] {strides = array<i32>} : memref<512xi32, #tpu.memory_space<vmem>>, vector<16xi32>,
    %add3A_209 = arith.addi %mul3A_13, %get3A_208 : vector<16xi32>
    tpu.vector_store_idx %arg5[%add3A_209], %broadcast_in_dim3A_5 : memref<16000xf32, #tpu.memory_space<vmem>>[vector<16xi32>], vector<16xf32>,
    %add3A_210 = arith.constant 288 : i32
    %add3A_211 = arith.addi %mul3A_2, %add3A_210 : i32
    %mul3A_212 = arith.constant 1000 : i32
    %mul3A_213 = arith.muli %add3A_211, %mul3A_212 : i32
    %dma_start3A_214 = tpu.memref_slice %arg3[%mul3A_213] : memref<16384000xf32, #tpu.memory_space<hbm>> -> memref<16000xf32, #tpu.memory_space<hbm>>
    %dma_start3A_215 = tpu.memref_slice %arg3[%mul3A_213] : memref<16384000xf32, #tpu.memory_space<hbm>> -> memref<16000xf32, #tpu.memory_space<hbm>>
    tpu.enqueue_dma source(%arg5 : memref<16000xf32, #tpu.memory_space<vmem>>) target(%dma_start3A_215 : memref<16000xf32, #tpu.memory_space<hbm>>) target_semaphore(%arg7 : memref<!tpu.dma_semaphore, #tpu.memory_space<semaphore_mem>>)
    %dma_wait3A_216 = tpu.memref_slice %arg3[%mul3A_202] : memref<16384000xf32, #tpu.memory_space<hbm>> -> memref<16000xf32, #tpu.memory_space<hbm>>
    %dma_wait3A_217 = tpu.memref_slice %arg3[%mul3A_202] : memref<16384000xf32, #tpu.memory_space<hbm>> -> memref<16000xf32, #tpu.memory_space<hbm>>
    tpu.wait_dma2 semaphore(%arg8 : memref<!tpu.dma_semaphore, #tpu.memory_space<semaphore_mem>>) src(%arg6 : memref<16000xf32, #tpu.memory_space<vmem>>) dst(%dma_wait3A_217 : memref<16000xf32, #tpu.memory_space<hbm>>)
    tpu.vector_store_idx %arg6[%add3A_198], %broadcast_in_dim3A_3 : memref<16000xf32, #tpu.memory_space<vmem>>[vector<16xi32>], vector<16xf32>,
    %get3A_218 = arith.constant 304 : index
    %get3A_219 = tpu.vector_load %arg4[%get3A_218] {strides = array<i32>} : memref<512xi32, #tpu.memory_space<vmem>>, vector<16xi32>,
    %add3A_220 = arith.addi %mul3A_13, %get3A_219 : vector<16xi32>
    tpu.vector_store_idx %arg6[%add3A_220], %broadcast_in_dim3A_5 : memref<16000xf32, #tpu.memory_space<vmem>>[vector<16xi32>], vector<16xf32>,
    %add3A_221 = arith.constant 304 : i32
    %add3A_222 = arith.addi %mul3A_2, %add3A_221 : i32
    %mul3A_223 = arith.constant 1000 : i32
    %mul3A_224 = arith.muli %add3A_222, %mul3A_223 : i32
    %dma_start3A_225 = tpu.memref_slice %arg3[%mul3A_224] : memref<16384000xf32, #tpu.memory_space<hbm>> -> memref<16000xf32, #tpu.memory_space<hbm>>
    %dma_start3A_226 = tpu.memref_slice %arg3[%mul3A_224] : memref<16384000xf32, #tpu.memory_space<hbm>> -> memref<16000xf32, #tpu.memory_space<hbm>>
    tpu.enqueue_dma source(%arg6 : memref<16000xf32, #tpu.memory_space<vmem>>) target(%dma_start3A_226 : memref<16000xf32, #tpu.memory_space<hbm>>) target_semaphore(%arg8 : memref<!tpu.dma_semaphore, #tpu.memory_space<semaphore_mem>>)
    %dma_wait3A_227 = tpu.memref_slice %arg3[%mul3A_213] : memref<16384000xf32, #tpu.memory_space<hbm>> -> memref<16000xf32, #tpu.memory_space<hbm>>
    %dma_wait3A_228 = tpu.memref_slice %arg3[%mul3A_213] : memref<16384000xf32, #tpu.memory_space<hbm>> -> memref<16000xf32, #tpu.memory_space<hbm>>
    tpu.wait_dma2 semaphore(%arg7 : memref<!tpu.dma_semaphore, #tpu.memory_space<semaphore_mem>>) src(%arg5 : memref<16000xf32, #tpu.memory_space<vmem>>) dst(%dma_wait3A_228 : memref<16000xf32, #tpu.memory_space<hbm>>)
    tpu.vector_store_idx %arg5[%add3A_209], %broadcast_in_dim3A_3 : memref<16000xf32, #tpu.memory_space<vmem>>[vector<16xi32>], vector<16xf32>,
    %get3A_229 = arith.constant 320 : index
    %get3A_230 = tpu.vector_load %arg4[%get3A_229] {strides = array<i32>} : memref<512xi32, #tpu.memory_space<vmem>>, vector<16xi32>,
    %add3A_231 = arith.addi %mul3A_13, %get3A_230 : vector<16xi32>
    tpu.vector_store_idx %arg5[%add3A_231], %broadcast_in_dim3A_5 : memref<16000xf32, #tpu.memory_space<vmem>>[vector<16xi32>], vector<16xf32>,
    %add3A_232 = arith.constant 320 : i32
    %add3A_233 = arith.addi %mul3A_2, %add3A_232 : i32
    %mul3A_234 = arith.constant 1000 : i32
    %mul3A_235 = arith.muli %add3A_233, %mul3A_234 : i32
    %dma_start3A_236 = tpu.memref_slice %arg3[%mul3A_235] : memref<16384000xf32, #tpu.memory_space<hbm>> -> memref<16000xf32, #tpu.memory_space<hbm>>
    %dma_start3A_237 = tpu.memref_slice %arg3[%mul3A_235] : memref<16384000xf32, #tpu.memory_space<hbm>> -> memref<16000xf32, #tpu.memory_space<hbm>>
    tpu.enqueue_dma source(%arg5 : memref<16000xf32, #tpu.memory_space<vmem>>) target(%dma_start3A_237 : memref<16000xf32, #tpu.memory_space<hbm>>) target_semaphore(%arg7 : memref<!tpu.dma_semaphore, #tpu.memory_space<semaphore_mem>>)
    %dma_wait3A_238 = tpu.memref_slice %arg3[%mul3A_224] : memref<16384000xf32, #tpu.memory_space<hbm>> -> memref<16000xf32, #tpu.memory_space<hbm>>
    %dma_wait3A_239 = tpu.memref_slice %arg3[%mul3A_224] : memref<16384000xf32, #tpu.memory_space<hbm>> -> memref<16000xf32, #tpu.memory_space<hbm>>
    tpu.wait_dma2 semaphore(%arg8 : memref<!tpu.dma_semaphore, #tpu.memory_space<semaphore_mem>>) src(%arg6 : memref<16000xf32, #tpu.memory_space<vmem>>) dst(%dma_wait3A_239 : memref<16000xf32, #tpu.memory_space<hbm>>)
    tpu.vector_store_idx %arg6[%add3A_220], %broadcast_in_dim3A_3 : memref<16000xf32, #tpu.memory_space<vmem>>[vector<16xi32>], vector<16xf32>,
    %get3A_240 = arith.constant 336 : index
    %get3A_241 = tpu.vector_load %arg4[%get3A_240] {strides = array<i32>} : memref<512xi32, #tpu.memory_space<vmem>>, vector<16xi32>,
    %add3A_242 = arith.addi %mul3A_13, %get3A_241 : vector<16xi32>
    tpu.vector_store_idx %arg6[%add3A_242], %broadcast_in_dim3A_5 : memref<16000xf32, #tpu.memory_space<vmem>>[vector<16xi32>], vector<16xf32>,
    %add3A_243 = arith.constant 336 : i32
    %add3A_244 = arith.addi %mul3A_2, %add3A_243 : i32
    %mul3A_245 = arith.constant 1000 : i32
    %mul3A_246 = arith.muli %add3A_244, %mul3A_245 : i32
    %dma_start3A_247 = tpu.memref_slice %arg3[%mul3A_246] : memref<16384000xf32, #tpu.memory_space<hbm>> -> memref<16000xf32, #tpu.memory_space<hbm>>
    %dma_start3A_248 = tpu.memref_slice %arg3[%mul3A_246] : memref<16384000xf32, #tpu.memory_space<hbm>> -> memref<16000xf32, #tpu.memory_space<hbm>>
    tpu.enqueue_dma source(%arg6 : memref<16000xf32, #tpu.memory_space<vmem>>) target(%dma_start3A_248 : memref<16000xf32, #tpu.memory_space<hbm>>) target_semaphore(%arg8 : memref<!tpu.dma_semaphore, #tpu.memory_space<semaphore_mem>>)
    %dma_wait3A_249 = tpu.memref_slice %arg3[%mul3A_235] : memref<16384000xf32, #tpu.memory_space<hbm>> -> memref<16000xf32, #tpu.memory_space<hbm>>
    %dma_wait3A_250 = tpu.memref_slice %arg3[%mul3A_235] : memref<16384000xf32, #tpu.memory_space<hbm>> -> memref<16000xf32, #tpu.memory_space<hbm>>
    tpu.wait_dma2 semaphore(%arg7 : memref<!tpu.dma_semaphore, #tpu.memory_space<semaphore_mem>>) src(%arg5 : memref<16000xf32, #tpu.memory_space<vmem>>) dst(%dma_wait3A_250 : memref<16000xf32, #tpu.memory_space<hbm>>)
    tpu.vector_store_idx %arg5[%add3A_231], %broadcast_in_dim3A_3 : memref<16000xf32, #tpu.memory_space<vmem>>[vector<16xi32>], vector<16xf32>,
    %get3A_251 = arith.constant 352 : index
    %get3A_252 = tpu.vector_load %arg4[%get3A_251] {strides = array<i32>} : memref<512xi32, #tpu.memory_space<vmem>>, vector<16xi32>,
    %add3A_253 = arith.addi %mul3A_13, %get3A_252 : vector<16xi32>
    tpu.vector_store_idx %arg5[%add3A_253], %broadcast_in_dim3A_5 : memref<16000xf32, #tpu.memory_space<vmem>>[vector<16xi32>], vector<16xf32>,
    %add3A_254 = arith.constant 352 : i32
    %add3A_255 = arith.addi %mul3A_2, %add3A_254 : i32
    %mul3A_256 = arith.constant 1000 : i32
    %mul3A_257 = arith.muli %add3A_255, %mul3A_256 : i32
    %dma_start3A_258 = tpu.memref_slice %arg3[%mul3A_257] : memref<16384000xf32, #tpu.memory_space<hbm>> -> memref<16000xf32, #tpu.memory_space<hbm>>
    %dma_start3A_259 = tpu.memref_slice %arg3[%mul3A_257] : memref<16384000xf32, #tpu.memory_space<hbm>> -> memref<16000xf32, #tpu.memory_space<hbm>>
    tpu.enqueue_dma source(%arg5 : memref<16000xf32, #tpu.memory_space<vmem>>) target(%dma_start3A_259 : memref<16000xf32, #tpu.memory_space<hbm>>) target_semaphore(%arg7 : memref<!tpu.dma_semaphore, #tpu.memory_space<semaphore_mem>>)
    %dma_wait3A_260 = tpu.memref_slice %arg3[%mul3A_246] : memref<16384000xf32, #tpu.memory_space<hbm>> -> memref<16000xf32, #tpu.memory_space<hbm>>
    %dma_wait3A_261 = tpu.memref_slice %arg3[%mul3A_246] : memref<16384000xf32, #tpu.memory_space<hbm>> -> memref<16000xf32, #tpu.memory_space<hbm>>
    tpu.wait_dma2 semaphore(%arg8 : memref<!tpu.dma_semaphore, #tpu.memory_space<semaphore_mem>>) src(%arg6 : memref<16000xf32, #tpu.memory_space<vmem>>) dst(%dma_wait3A_261 : memref<16000xf32, #tpu.memory_space<hbm>>)
    tpu.vector_store_idx %arg6[%add3A_242], %broadcast_in_dim3A_3 : memref<16000xf32, #tpu.memory_space<vmem>>[vector<16xi32>], vector<16xf32>,
    %get3A_262 = arith.constant 368 : index
    %get3A_263 = tpu.vector_load %arg4[%get3A_262] {strides = array<i32>} : memref<512xi32, #tpu.memory_space<vmem>>, vector<16xi32>,
    %add3A_264 = arith.addi %mul3A_13, %get3A_263 : vector<16xi32>
    tpu.vector_store_idx %arg6[%add3A_264], %broadcast_in_dim3A_5 : memref<16000xf32, #tpu.memory_space<vmem>>[vector<16xi32>], vector<16xf32>,
    %add3A_265 = arith.constant 368 : i32
    %add3A_266 = arith.addi %mul3A_2, %add3A_265 : i32
    %mul3A_267 = arith.constant 1000 : i32
    %mul3A_268 = arith.muli %add3A_266, %mul3A_267 : i32
    %dma_start3A_269 = tpu.memref_slice %arg3[%mul3A_268] : memref<16384000xf32, #tpu.memory_space<hbm>> -> memref<16000xf32, #tpu.memory_space<hbm>>
    %dma_start3A_270 = tpu.memref_slice %arg3[%mul3A_268] : memref<16384000xf32, #tpu.memory_space<hbm>> -> memref<16000xf32, #tpu.memory_space<hbm>>
    tpu.enqueue_dma source(%arg6 : memref<16000xf32, #tpu.memory_space<vmem>>) target(%dma_start3A_270 : memref<16000xf32, #tpu.memory_space<hbm>>) target_semaphore(%arg8 : memref<!tpu.dma_semaphore, #tpu.memory_space<semaphore_mem>>)
    %dma_wait3A_271 = tpu.memref_slice %arg3[%mul3A_257] : memref<16384000xf32, #tpu.memory_space<hbm>> -> memref<16000xf32, #tpu.memory_space<hbm>>
    %dma_wait3A_272 = tpu.memref_slice %arg3[%mul3A_257] : memref<16384000xf32, #tpu.memory_space<hbm>> -> memref<16000xf32, #tpu.memory_space<hbm>>
    tpu.wait_dma2 semaphore(%arg7 : memref<!tpu.dma_semaphore, #tpu.memory_space<semaphore_mem>>) src(%arg5 : memref<16000xf32, #tpu.memory_space<vmem>>) dst(%dma_wait3A_272 : memref<16000xf32, #tpu.memory_space<hbm>>)
    tpu.vector_store_idx %arg5[%add3A_253], %broadcast_in_dim3A_3 : memref<16000xf32, #tpu.memory_space<vmem>>[vector<16xi32>], vector<16xf32>,
    %get3A_273 = arith.constant 384 : index
    %get3A_274 = tpu.vector_load %arg4[%get3A_273] {strides = array<i32>} : memref<512xi32, #tpu.memory_space<vmem>>, vector<16xi32>,
    %add3A_275 = arith.addi %mul3A_13, %get3A_274 : vector<16xi32>
    tpu.vector_store_idx %arg5[%add3A_275], %broadcast_in_dim3A_5 : memref<16000xf32, #tpu.memory_space<vmem>>[vector<16xi32>], vector<16xf32>,
    %add3A_276 = arith.constant 384 : i32
    %add3A_277 = arith.addi %mul3A_2, %add3A_276 : i32
    %mul3A_278 = arith.constant 1000 : i32
    %mul3A_279 = arith.muli %add3A_277, %mul3A_278 : i32
    %dma_start3A_280 = tpu.memref_slice %arg3[%mul3A_279] : memref<16384000xf32, #tpu.memory_space<hbm>> -> memref<16000xf32, #tpu.memory_space<hbm>>
    %dma_start3A_281 = tpu.memref_slice %arg3[%mul3A_279] : memref<16384000xf32, #tpu.memory_space<hbm>> -> memref<16000xf32, #tpu.memory_space<hbm>>
    tpu.enqueue_dma source(%arg5 : memref<16000xf32, #tpu.memory_space<vmem>>) target(%dma_start3A_281 : memref<16000xf32, #tpu.memory_space<hbm>>) target_semaphore(%arg7 : memref<!tpu.dma_semaphore, #tpu.memory_space<semaphore_mem>>)
    %dma_wait3A_282 = tpu.memref_slice %arg3[%mul3A_268] : memref<16384000xf32, #tpu.memory_space<hbm>> -> memref<16000xf32, #tpu.memory_space<hbm>>
    %dma_wait3A_283 = tpu.memref_slice %arg3[%mul3A_268] : memref<16384000xf32, #tpu.memory_space<hbm>> -> memref<16000xf32, #tpu.memory_space<hbm>>
    tpu.wait_dma2 semaphore(%arg8 : memref<!tpu.dma_semaphore, #tpu.memory_space<semaphore_mem>>) src(%arg6 : memref<16000xf32, #tpu.memory_space<vmem>>) dst(%dma_wait3A_283 : memref<16000xf32, #tpu.memory_space<hbm>>)
    tpu.vector_store_idx %arg6[%add3A_264], %broadcast_in_dim3A_3 : memref<16000xf32, #tpu.memory_space<vmem>>[vector<16xi32>], vector<16xf32>,
    %get3A_284 = arith.constant 400 : index
    %get3A_285 = tpu.vector_load %arg4[%get3A_284] {strides = array<i32>} : memref<512xi32, #tpu.memory_space<vmem>>, vector<16xi32>,
    %add3A_286 = arith.addi %mul3A_13, %get3A_285 : vector<16xi32>
    tpu.vector_store_idx %arg6[%add3A_286], %broadcast_in_dim3A_5 : memref<16000xf32, #tpu.memory_space<vmem>>[vector<16xi32>], vector<16xf32>,
    %add3A_287 = arith.constant 400 : i32
    %add3A_288 = arith.addi %mul3A_2, %add3A_287 : i32
    %mul3A_289 = arith.constant 1000 : i32
    %mul3A_290 = arith.muli %add3A_288, %mul3A_289 : i32
    %dma_start3A_291 = tpu.memref_slice %arg3[%mul3A_290] : memref<16384000xf32, #tpu.memory_space<hbm>> -> memref<16000xf32, #tpu.memory_space<hbm>>
    %dma_start3A_292 = tpu.memref_slice %arg3[%mul3A_290] : memref<16384000xf32, #tpu.memory_space<hbm>> -> memref<16000xf32, #tpu.memory_space<hbm>>
    tpu.enqueue_dma source(%arg6 : memref<16000xf32, #tpu.memory_space<vmem>>) target(%dma_start3A_292 : memref<16000xf32, #tpu.memory_space<hbm>>) target_semaphore(%arg8 : memref<!tpu.dma_semaphore, #tpu.memory_space<semaphore_mem>>)
    %dma_wait3A_293 = tpu.memref_slice %arg3[%mul3A_279] : memref<16384000xf32, #tpu.memory_space<hbm>> -> memref<16000xf32, #tpu.memory_space<hbm>>
    %dma_wait3A_294 = tpu.memref_slice %arg3[%mul3A_279] : memref<16384000xf32, #tpu.memory_space<hbm>> -> memref<16000xf32, #tpu.memory_space<hbm>>
    tpu.wait_dma2 semaphore(%arg7 : memref<!tpu.dma_semaphore, #tpu.memory_space<semaphore_mem>>) src(%arg5 : memref<16000xf32, #tpu.memory_space<vmem>>) dst(%dma_wait3A_294 : memref<16000xf32, #tpu.memory_space<hbm>>)
    tpu.vector_store_idx %arg5[%add3A_275], %broadcast_in_dim3A_3 : memref<16000xf32, #tpu.memory_space<vmem>>[vector<16xi32>], vector<16xf32>,
    %get3A_295 = arith.constant 416 : index
    %get3A_296 = tpu.vector_load %arg4[%get3A_295] {strides = array<i32>} : memref<512xi32, #tpu.memory_space<vmem>>, vector<16xi32>,
    %add3A_297 = arith.addi %mul3A_13, %get3A_296 : vector<16xi32>
    tpu.vector_store_idx %arg5[%add3A_297], %broadcast_in_dim3A_5 : memref<16000xf32, #tpu.memory_space<vmem>>[vector<16xi32>], vector<16xf32>,
    %add3A_298 = arith.constant 416 : i32
    %add3A_299 = arith.addi %mul3A_2, %add3A_298 : i32
    %mul3A_300 = arith.constant 1000 : i32
    %mul3A_301 = arith.muli %add3A_299, %mul3A_300 : i32
    %dma_start3A_302 = tpu.memref_slice %arg3[%mul3A_301] : memref<16384000xf32, #tpu.memory_space<hbm>> -> memref<16000xf32, #tpu.memory_space<hbm>>
    %dma_start3A_303 = tpu.memref_slice %arg3[%mul3A_301] : memref<16384000xf32, #tpu.memory_space<hbm>> -> memref<16000xf32, #tpu.memory_space<hbm>>
    tpu.enqueue_dma source(%arg5 : memref<16000xf32, #tpu.memory_space<vmem>>) target(%dma_start3A_303 : memref<16000xf32, #tpu.memory_space<hbm>>) target_semaphore(%arg7 : memref<!tpu.dma_semaphore, #tpu.memory_space<semaphore_mem>>)
    %dma_wait3A_304 = tpu.memref_slice %arg3[%mul3A_290] : memref<16384000xf32, #tpu.memory_space<hbm>> -> memref<16000xf32, #tpu.memory_space<hbm>>
    %dma_wait3A_305 = tpu.memref_slice %arg3[%mul3A_290] : memref<16384000xf32, #tpu.memory_space<hbm>> -> memref<16000xf32, #tpu.memory_space<hbm>>
    tpu.wait_dma2 semaphore(%arg8 : memref<!tpu.dma_semaphore, #tpu.memory_space<semaphore_mem>>) src(%arg6 : memref<16000xf32, #tpu.memory_space<vmem>>) dst(%dma_wait3A_305 : memref<16000xf32, #tpu.memory_space<hbm>>)
    tpu.vector_store_idx %arg6[%add3A_286], %broadcast_in_dim3A_3 : memref<16000xf32, #tpu.memory_space<vmem>>[vector<16xi32>], vector<16xf32>,
    %get3A_306 = arith.constant 432 : index
    %get3A_307 = tpu.vector_load %arg4[%get3A_306] {strides = array<i32>} : memref<512xi32, #tpu.memory_space<vmem>>, vector<16xi32>,
    %add3A_308 = arith.addi %mul3A_13, %get3A_307 : vector<16xi32>
    tpu.vector_store_idx %arg6[%add3A_308], %broadcast_in_dim3A_5 : memref<16000xf32, #tpu.memory_space<vmem>>[vector<16xi32>], vector<16xf32>,
    %add3A_309 = arith.constant 432 : i32
    %add3A_310 = arith.addi %mul3A_2, %add3A_309 : i32
    %mul3A_311 = arith.constant 1000 : i32
    %mul3A_312 = arith.muli %add3A_310, %mul3A_311 : i32
    %dma_start3A_313 = tpu.memref_slice %arg3[%mul3A_312] : memref<16384000xf32, #tpu.memory_space<hbm>> -> memref<16000xf32, #tpu.memory_space<hbm>>
    %dma_start3A_314 = tpu.memref_slice %arg3[%mul3A_312] : memref<16384000xf32, #tpu.memory_space<hbm>> -> memref<16000xf32, #tpu.memory_space<hbm>>
    tpu.enqueue_dma source(%arg6 : memref<16000xf32, #tpu.memory_space<vmem>>) target(%dma_start3A_314 : memref<16000xf32, #tpu.memory_space<hbm>>) target_semaphore(%arg8 : memref<!tpu.dma_semaphore, #tpu.memory_space<semaphore_mem>>)
    %dma_wait3A_315 = tpu.memref_slice %arg3[%mul3A_301] : memref<16384000xf32, #tpu.memory_space<hbm>> -> memref<16000xf32, #tpu.memory_space<hbm>>
    %dma_wait3A_316 = tpu.memref_slice %arg3[%mul3A_301] : memref<16384000xf32, #tpu.memory_space<hbm>> -> memref<16000xf32, #tpu.memory_space<hbm>>
    tpu.wait_dma2 semaphore(%arg7 : memref<!tpu.dma_semaphore, #tpu.memory_space<semaphore_mem>>) src(%arg5 : memref<16000xf32, #tpu.memory_space<vmem>>) dst(%dma_wait3A_316 : memref<16000xf32, #tpu.memory_space<hbm>>)
    tpu.vector_store_idx %arg5[%add3A_297], %broadcast_in_dim3A_3 : memref<16000xf32, #tpu.memory_space<vmem>>[vector<16xi32>], vector<16xf32>,
    %get3A_317 = arith.constant 448 : index
    %get3A_318 = tpu.vector_load %arg4[%get3A_317] {strides = array<i32>} : memref<512xi32, #tpu.memory_space<vmem>>, vector<16xi32>,
    %add3A_319 = arith.addi %mul3A_13, %get3A_318 : vector<16xi32>
    tpu.vector_store_idx %arg5[%add3A_319], %broadcast_in_dim3A_5 : memref<16000xf32, #tpu.memory_space<vmem>>[vector<16xi32>], vector<16xf32>,
    %add3A_320 = arith.constant 448 : i32
    %add3A_321 = arith.addi %mul3A_2, %add3A_320 : i32
    %mul3A_322 = arith.constant 1000 : i32
    %mul3A_323 = arith.muli %add3A_321, %mul3A_322 : i32
    %dma_start3A_324 = tpu.memref_slice %arg3[%mul3A_323] : memref<16384000xf32, #tpu.memory_space<hbm>> -> memref<16000xf32, #tpu.memory_space<hbm>>
    %dma_start3A_325 = tpu.memref_slice %arg3[%mul3A_323] : memref<16384000xf32, #tpu.memory_space<hbm>> -> memref<16000xf32, #tpu.memory_space<hbm>>
    tpu.enqueue_dma source(%arg5 : memref<16000xf32, #tpu.memory_space<vmem>>) target(%dma_start3A_325 : memref<16000xf32, #tpu.memory_space<hbm>>) target_semaphore(%arg7 : memref<!tpu.dma_semaphore, #tpu.memory_space<semaphore_mem>>)
    %dma_wait3A_326 = tpu.memref_slice %arg3[%mul3A_312] : memref<16384000xf32, #tpu.memory_space<hbm>> -> memref<16000xf32, #tpu.memory_space<hbm>>
    %dma_wait3A_327 = tpu.memref_slice %arg3[%mul3A_312] : memref<16384000xf32, #tpu.memory_space<hbm>> -> memref<16000xf32, #tpu.memory_space<hbm>>
    tpu.wait_dma2 semaphore(%arg8 : memref<!tpu.dma_semaphore, #tpu.memory_space<semaphore_mem>>) src(%arg6 : memref<16000xf32, #tpu.memory_space<vmem>>) dst(%dma_wait3A_327 : memref<16000xf32, #tpu.memory_space<hbm>>)
    tpu.vector_store_idx %arg6[%add3A_308], %broadcast_in_dim3A_3 : memref<16000xf32, #tpu.memory_space<vmem>>[vector<16xi32>], vector<16xf32>,
    %get3A_328 = arith.constant 464 : index
    %get3A_329 = tpu.vector_load %arg4[%get3A_328] {strides = array<i32>} : memref<512xi32, #tpu.memory_space<vmem>>, vector<16xi32>,
    %add3A_330 = arith.addi %mul3A_13, %get3A_329 : vector<16xi32>
    tpu.vector_store_idx %arg6[%add3A_330], %broadcast_in_dim3A_5 : memref<16000xf32, #tpu.memory_space<vmem>>[vector<16xi32>], vector<16xf32>,
    %add3A_331 = arith.constant 464 : i32
    %add3A_332 = arith.addi %mul3A_2, %add3A_331 : i32
    %mul3A_333 = arith.constant 1000 : i32
    %mul3A_334 = arith.muli %add3A_332, %mul3A_333 : i32
    %dma_start3A_335 = tpu.memref_slice %arg3[%mul3A_334] : memref<16384000xf32, #tpu.memory_space<hbm>> -> memref<16000xf32, #tpu.memory_space<hbm>>
    %dma_start3A_336 = tpu.memref_slice %arg3[%mul3A_334] : memref<16384000xf32, #tpu.memory_space<hbm>> -> memref<16000xf32, #tpu.memory_space<hbm>>
    tpu.enqueue_dma source(%arg6 : memref<16000xf32, #tpu.memory_space<vmem>>) target(%dma_start3A_336 : memref<16000xf32, #tpu.memory_space<hbm>>) target_semaphore(%arg8 : memref<!tpu.dma_semaphore, #tpu.memory_space<semaphore_mem>>)
    %dma_wait3A_337 = tpu.memref_slice %arg3[%mul3A_323] : memref<16384000xf32, #tpu.memory_space<hbm>> -> memref<16000xf32, #tpu.memory_space<hbm>>
    %dma_wait3A_338 = tpu.memref_slice %arg3[%mul3A_323] : memref<16384000xf32, #tpu.memory_space<hbm>> -> memref<16000xf32, #tpu.memory_space<hbm>>
    tpu.wait_dma2 semaphore(%arg7 : memref<!tpu.dma_semaphore, #tpu.memory_space<semaphore_mem>>) src(%arg5 : memref<16000xf32, #tpu.memory_space<vmem>>) dst(%dma_wait3A_338 : memref<16000xf32, #tpu.memory_space<hbm>>)
    tpu.vector_store_idx %arg5[%add3A_319], %broadcast_in_dim3A_3 : memref<16000xf32, #tpu.memory_space<vmem>>[vector<16xi32>], vector<16xf32>,
    %get3A_339 = arith.constant 480 : index
    %get3A_340 = tpu.vector_load %arg4[%get3A_339] {strides = array<i32>} : memref<512xi32, #tpu.memory_space<vmem>>, vector<16xi32>,
    %add3A_341 = arith.addi %mul3A_13, %get3A_340 : vector<16xi32>
    tpu.vector_store_idx %arg5[%add3A_341], %broadcast_in_dim3A_5 : memref<16000xf32, #tpu.memory_space<vmem>>[vector<16xi32>], vector<16xf32>,
    %add3A_342 = arith.constant 480 : i32
    %add3A_343 = arith.addi %mul3A_2, %add3A_342 : i32
    %mul3A_344 = arith.constant 1000 : i32
    %mul3A_345 = arith.muli %add3A_343, %mul3A_344 : i32
    %dma_start3A_346 = tpu.memref_slice %arg3[%mul3A_345] : memref<16384000xf32, #tpu.memory_space<hbm>> -> memref<16000xf32, #tpu.memory_space<hbm>>
    %dma_start3A_347 = tpu.memref_slice %arg3[%mul3A_345] : memref<16384000xf32, #tpu.memory_space<hbm>> -> memref<16000xf32, #tpu.memory_space<hbm>>
    tpu.enqueue_dma source(%arg5 : memref<16000xf32, #tpu.memory_space<vmem>>) target(%dma_start3A_347 : memref<16000xf32, #tpu.memory_space<hbm>>) target_semaphore(%arg7 : memref<!tpu.dma_semaphore, #tpu.memory_space<semaphore_mem>>)
    %dma_wait3A_348 = tpu.memref_slice %arg3[%mul3A_334] : memref<16384000xf32, #tpu.memory_space<hbm>> -> memref<16000xf32, #tpu.memory_space<hbm>>
    %dma_wait3A_349 = tpu.memref_slice %arg3[%mul3A_334] : memref<16384000xf32, #tpu.memory_space<hbm>> -> memref<16000xf32, #tpu.memory_space<hbm>>
    tpu.wait_dma2 semaphore(%arg8 : memref<!tpu.dma_semaphore, #tpu.memory_space<semaphore_mem>>) src(%arg6 : memref<16000xf32, #tpu.memory_space<vmem>>) dst(%dma_wait3A_349 : memref<16000xf32, #tpu.memory_space<hbm>>)
    tpu.vector_store_idx %arg6[%add3A_330], %broadcast_in_dim3A_3 : memref<16000xf32, #tpu.memory_space<vmem>>[vector<16xi32>], vector<16xf32>,
    %get3A_350 = arith.constant 496 : index
    %get3A_351 = tpu.vector_load %arg4[%get3A_350] {strides = array<i32>} : memref<512xi32, #tpu.memory_space<vmem>>, vector<16xi32>,
    %add3A_352 = arith.addi %mul3A_13, %get3A_351 : vector<16xi32>
    tpu.vector_store_idx %arg6[%add3A_352], %broadcast_in_dim3A_5 : memref<16000xf32, #tpu.memory_space<vmem>>[vector<16xi32>], vector<16xf32>,
    %add3A_353 = arith.constant 496 : i32
    %add3A_354 = arith.addi %mul3A_2, %add3A_353 : i32
    %mul3A_355 = arith.constant 1000 : i32
    %mul3A_356 = arith.muli %add3A_354, %mul3A_355 : i32
    %dma_start3A_357 = tpu.memref_slice %arg3[%mul3A_356] : memref<16384000xf32, #tpu.memory_space<hbm>> -> memref<16000xf32, #tpu.memory_space<hbm>>
    %dma_start3A_358 = tpu.memref_slice %arg3[%mul3A_356] : memref<16384000xf32, #tpu.memory_space<hbm>> -> memref<16000xf32, #tpu.memory_space<hbm>>
    tpu.enqueue_dma source(%arg6 : memref<16000xf32, #tpu.memory_space<vmem>>) target(%dma_start3A_358 : memref<16000xf32, #tpu.memory_space<hbm>>) target_semaphore(%arg8 : memref<!tpu.dma_semaphore, #tpu.memory_space<semaphore_mem>>)
    %dma_wait3A_359 = tpu.memref_slice %arg3[%mul3A_345] : memref<16384000xf32, #tpu.memory_space<hbm>> -> memref<16000xf32, #tpu.memory_space<hbm>>
    %dma_wait3A_360 = tpu.memref_slice %arg3[%mul3A_345] : memref<16384000xf32, #tpu.memory_space<hbm>> -> memref<16000xf32, #tpu.memory_space<hbm>>
    tpu.wait_dma2 semaphore(%arg7 : memref<!tpu.dma_semaphore, #tpu.memory_space<semaphore_mem>>) src(%arg5 : memref<16000xf32, #tpu.memory_space<vmem>>) dst(%dma_wait3A_360 : memref<16000xf32, #tpu.memory_space<hbm>>)
    %dma_wait3A_361 = tpu.memref_slice %arg3[%mul3A_356] : memref<16384000xf32, #tpu.memory_space<hbm>> -> memref<16000xf32, #tpu.memory_space<hbm>>
    %dma_wait3A_362 = tpu.memref_slice %arg3[%mul3A_356] : memref<16384000xf32, #tpu.memory_space<hbm>> -> memref<16000xf32, #tpu.memory_space<hbm>>
    tpu.wait_dma2 semaphore(%arg8 : memref<!tpu.dma_semaphore, #tpu.memory_space<semaphore_mem>>) src(%arg6 : memref<16000xf32, #tpu.memory_space<vmem>>) dst(%dma_wait3A_362 : memref<16000xf32, #tpu.memory_space<hbm>>)
    return
  }
}

</mosaic_0001>

<sc_bundles>
// kernel: kernel.3.cloned.1.call-start
scs
__scs_entry_jumppad:
0x0: {  	(pc) =	sbr.rel $0x88, $3  }
0x1: {  	(tag) =	ssettag $0x0;
	lr =	simm.s32 $0x1  }
0x2: {  	[smem:$0x3FA0] =	sst lr;
	_ =	strace $0xD0000000  }
0x3: {  	_ = 	snop  }
0x4: {  	_ = 	snop  }
0x5: {  	_ = 	snop  }
0x6: {  	_ = 	snop  }
0x7: {  	_ = 	snop  }
__scs_overlays_trampoline_lowered:
0x8: {  	[smem:$0x3FAF] =	sst s0  }
0x9: {  	[smem:$0x3FB0] =	sst s1  }
0xa: {  	[smem:$0x3FB1] =	sst s2  }
0xb: {  	[smem:$0x3FB2] =	sst s3  }
0xc: {  	[smem:$0x3FB3] =	sst s4  }
0xd: {  	[smem:$0x3FB4] =	sst s5  }
0xe: {  	[smem:$0x3FB5] =	sst s6  }
0xf: {  	[smem:$0x3FB6] =	sst s7  }
0x10: {  	[smem:$0x3FB7] =	sst s8  }
0x11: {  	[smem:$0x3FB8] =	sst s9;
	s0 =	simm.s32 @!p0 $0x0  }
0x12: {  	s1 =	sld [smem:$0x3F9E];
	s0 =	simm.s32 @p0 $0x1  }
0x13: {  	[smem:$0x3FB9] =	sst s0;
	s0 =	simm.s32 @!p1 $0x0  }
0x14: {  	s2 =	sld [smem:$0x3F9D];
	s0 =	simm.s32 @p1 $0x1  }
0x15: {  	[smem:$0x3FBA] =	sst s0;
	s0 =	simm.s32 @!p2 $0x0  }
0x16: {  	s3 =	sld [smem:$0x3FDB];
	s0 =	simm.s32 @p2 $0x1  }
0x17: {  	s4 =	simm.s32 $0x1BF5;
	[smem:$0x3FBC] =	sst s0  }
0x18: {  	s0 =	sld [smem:$0x3F9F];
	_ =	swait.ge [sflag:s4], $0x0  }
0x19: {  	s7 =	sld [smem:$0x3FA0]  }
0x1a: {  	s8 =	sadd.s32 $0xFFFFE003, lr  }
0x1b: {  	s9 =	sadd.s32 $0xFFFFFEF7, lr;
	s5 =	simm.s32 $0xFFFFFFFF;
	p2 =	slt.u32 s8, $0xFFFFF086  }
0x1c: {  	p1 =	slt.u32 s9, $0xF7A;
	s5 =	simm.s32 @!p2 $0x0  }
0x1d: {  	s5 =	simm.s32 @p1 $0x1;
	p0 =	seq.s32 s7, s2  }
0x1e: {  	s7 =	smul.u32 @!p0 $0xF7A, s2;
	p2 =	seq.s32 @!p0 s5, $0x0  }
0x1f: {  	s9 =	smul.u32 $0xF7A, s1;
	s8 =	simm.s32 @!p0 $0x1BF5;
	p2 =	por !p2, p0  }
0x20: {  	[sflag:s8] =	ssyncset.s32 @!p0 $0xFFFFF086;
	s6 =	sadd.s32 @!p0 s3, s7;
	s7 =	simm.s32 @!p0 $0x108  }
0x21: {  	s3 =	sadd.s32 s3, s9;
	s6 =	sadd.s32 @!p0 $0x88, s6;
	s7 =	simm.s32 @p2 $0x1082  }
0x22: {  	[simem:s7], [sflag:s8] =	dma.local @!p0 [hbm:s6], $0xF7A  }
0x23: {  	s9 =	sor.u32 $0xD0000000, s2;
	s6 =	simm.s32 $0x108;
	_ =	swait.ge @!p0 [sflag:s8], $0x0  }
0x24: {  	s3 =	sadd.s32 $0x88, s3;
	s6 =	simm.s32 @!p1 $0x1082;
	[sflag:s4] =	ssyncset.s32 $0xFFFFF086  }
0x25: {  	[simem:s6], [sflag:s4] =	dma.local [hbm:s3], $0xF7A  }
0x26: {  	[smem:$0x3FA0] =	sst s1;
	(tag) =	ssettag s2;
	_ =	strace s9  }
0x27: {  	s1 =	sld [smem:$0x3FB0]  }
0x28: {  	s2 =	sld [smem:$0x3FB1]  }
0x29: {  	s4 =	sld [smem:$0x3FB3]  }
0x2a: {  	p0 =	seq.s32 s5, $0x0;
	s5 =	sld [smem:$0x3FB4]  }
0x2b: {  	s6 =	sld [smem:$0x3FB5]  }
0x2c: {  	s7 =	sld [smem:$0x3FB6]  }
0x2d: {  	s3 =	simm.s32 $0x108;
	s8 =	sld [smem:$0x3FB7]  }
0x2e: {  	s3 =	simm.s32 @!p0 $0x1082;
	s9 =	sld [smem:$0x3FB8]  }
0x2f: {  	lr =	sadd.s32 s0, s3;
	s0 =	sld [smem:$0x3FAF]  }
0x30: {  	s3 =	sld [smem:$0x3FB2]  }
0x31: {  	[smem:$0x3FBB] =	sst s10  }
0x32: {  	s10 =	sld [smem:$0x3FB9];
	_ =	sdelay $0x3  }
0x33: {  	p0 =	seq.s32 s10, $0x1;
	s10 =	sld [smem:$0x3FBB];
	_ =	sdelay $0x3  }
0x34: {  	[smem:$0x3FBB] =	sst s10  }
0x35: {  	s10 =	sld [smem:$0x3FBA];
	_ =	sdelay $0x3  }
0x36: {  	p1 =	seq.s32 s10, $0x1;
	s10 =	sld [smem:$0x3FBB];
	_ =	sdelay $0x3  }
0x37: {  	[smem:$0x3FBB] =	sst s10  }
0x38: {  	s10 =	sld [smem:$0x3FBC]  }
0x39: {  	_ = 	snop;
	(pc) =	sbr.ind lr, $3  }
0x3a: {  	_ = 	snop  }
0x3b: {  	_ = 	snop  }
0x3c: {  	p2 =	seq.s32 s10, $0x1;
	s10 =	sld [smem:$0x3FBB]  }
0x3d: {  	_ =	shalt  }
0x3e: {  	_ =	shalt  }
0x3f: {  	_ =	shalt  }
0x40: {  	_ =	shalt  }
0x41: {  	_ =	shalt  }
0x42: {  	_ =	shalt  }
0x43: {  	_ =	shalt  }
0x44: {  	_ =	shalt  }
0x45: {  	_ =	shalt  }
0x46: {  	_ =	shalt  }
0x47: {  	_ =	shalt  }
0x48: {  	_ =	shalt  }
0x49: {  	_ =	shalt  }
0x4a: {  	_ =	shalt  }
0x4b: {  	_ =	shalt  }
0x4c: {  	_ =	shalt  }
0x4d: {  	_ =	shalt  }
0x4e: {  	_ =	shalt  }
0x4f: {  	_ =	shalt  }
0x50: {  	_ =	shalt  }
0x51: {  	_ =	shalt  }
0x52: {  	_ =	shalt  }
0x53: {  	_ =	shalt  }
0x54: {  	_ =	shalt  }
0x55: {  	_ =	shalt  }
0x56: {  	_ =	shalt  }
0x57: {  	_ =	shalt  }
0x58: {  	_ =	shalt  }
0x59: {  	_ =	shalt  }
0x5a: {  	_ =	shalt  }
0x5b: {  	_ =	shalt  }
0x5c: {  	_ =	shalt  }
0x5d: {  	_ =	shalt  }
0x5e: {  	_ =	shalt  }
0x5f: {  	_ =	shalt  }
0x60: {  	_ =	shalt  }
0x61: {  	_ =	shalt  }
0x62: {  	_ =	shalt  }
0x63: {  	_ =	shalt  }
0x64: {  	_ =	shalt  }
0x65: {  	_ =	shalt  }
0x66: {  	_ =	shalt  }
0x67: {  	_ =	shalt  }
0x68: {  	_ =	shalt  }
0x69: {  	_ =	shalt  }
0x6a: {  	_ =	shalt  }
0x6b: {  	_ =	shalt  }
0x6c: {  	_ =	shalt  }
0x6d: {  	_ =	shalt  }
0x6e: {  	_ =	shalt  }
0x6f: {  	_ =	shalt  }
0x70: {  	_ =	shalt  }
0x71: {  	_ =	shalt  }
0x72: {  	_ =	shalt  }
0x73: {  	_ =	shalt  }
0x74: {  	_ =	shalt  }
0x75: {  	_ =	shalt  }
0x76: {  	_ =	shalt  }
0x77: {  	_ =	shalt  }
0x78: {  	_ =	shalt  }
0x79: {  	_ =	shalt  }
0x7a: {  	_ =	shalt  }
0x7b: {  	_ =	shalt  }
0x7c: {  	_ =	shalt  }
0x7d: {  	_ =	shalt  }
0x7e: {  	_ =	shalt  }
0x7f: {  	_ =	shalt  }
0x80: {  	_ =	shalt  }
0x81: {  	_ =	shalt  }
0x82: {  	_ =	shalt  }
0x83: {  	_ =	shalt  }
0x84: {  	_ =	shalt  }
0x85: {  	_ =	shalt  }
0x86: {  	_ =	shalt  }
0x87: {  	_ =	shalt  }
.Lfunc_end0:
.L_simem_size_0:
called_computation.1_lowered:
.L_overlay_start_0:
0x88: {  	s2 =	sld [smem:$0x3FD9]  }
0x89: {  	s3 =	sld [smem:$0x3FFE];
	_ =	sdelay $0x1  }
0x8a: {  	s1 =	srdreg.scid  }
0x8b: {  	s0 =	sand.u32 $0x1, s1  }
0x8c: {  	s18 =	sshll.u32 s0, $0xA;
	s2 =	sadd.s32 s3, s2  }
0x8d: {  	s2 =	sadd.s32 s2, s18  }
0x8e: {  	[smem:$0x3FC7] =	sst s2  }
0x8f: {  	_ = 	snop  }
0x90: {  	s2 =	sld [smem:$0x3FC9]  }
0x91: {  	s19 =	sld [smem:$0x3FD0];
	(tm) =	ssettm $0x1  }
0x92: {  	s4 =	sld [smem:$0x3FFB];
	_ =	sdelay $0x3  }
0x93: {  	_ =	strace s4  }
0x94: {  	s4 =	sld [smem:$0x3FFC];
	_ =	sdelay $0x3  }
0x95: {  	_ =	strace s4  }
0x96: {  	s4 =	sld [smem:$0x3FFD];
	_ =	sdelay $0x3  }
0x97: {  	_ =	strace s4  }
0x98: {  	_ =	strace $0x8FFFFFFF  }
0x99: {  	s20 =	sld [smem:$0x3FDB];
	_ =	sdelay $0x1  }
0x9a: {  	s5 =	simm.s32 $_scs_section_size  }
0x9b: {  	s6 =	simm.s32 $_size__tile_overlayer_lowered;
	s7 =	simm.s32 $_tile_overlayer_lowered  }
0x9c: {  	s23 =	simm.s32 $0x1BFF;
	s22 =	sshll.u32 s7, $0x1;
	s4 =	sadd.s32 s5, s20  }
0x9d: {  	s8 =	simm.s32 $0x0;
	s21 =	sshll.u32 s6, $0x1;
	s6 =	sadd.s32 s22, s4  }
0x9e: {  	[timem:s8], [sflag:s23] =	dma.local [hbm:s6], s21  }
0x9f: {  	_ =	swait.ge [sflag:s23], s21  }
0xa0: {  	s5 =	ssub.s32 $0x0, s21;
	[sflag:s23] =	ssyncset.done $0x0  }
0xa1: {  	[sflag:s23] =	ssyncadd.s32 s5;
	_ =	sdelay $0x1  }
0xa2: {  	s24 =	simm.s32 $0x1B8B  }
0xa3: {  	_ =	swait.ge [sflag:s24], $0x1  }
0xa4: {  	[sflag:s24] =	ssyncset.done $0x0  }
0xa5: {  	s25 =	simm.s32 $0x1B8E;
	[sflag:s24] =	ssyncadd.s32 $0xFFFFFFFF  }
0xa6: {  	s26 =	simm.s32 $execute0_lowered;
	[smem:$0x3FD2] =	sst s25  }
0xa7: {  	s5 =	sshll.u32 s26, $0x1;
	_ =	strace $0x80000046;
	[dreg:$0x1] =	wrdreg $0xFFFFFFFF  }
0xa8: {  	s28 =	simm.s32 $_size_execute0_lowered;
	s4 =	sadd.s32 s4, s5;
	[dreg:$0x0] =	wrdreg $0x0  }
0xa9: {  	s5 =	sshll.u32 s28, $0x1;
	[dreg:$0x2] =	wrdreg s4  }
0xaa: {  	[dreg:$0x3] =	wrdreg s5  }
0xab: {  	[dreg:$0x4] =	wrdreg $0xC0  }
0xac: {  	_ =	task [dreg:s8], $0x5FFFF  }
0xad: {  	[dreg:$0x1] =	wrdreg $0xFFFFFFFF  }
0xae: {  	[dreg:$0x0] =	wrdreg $0x60  }
0xaf: {  	[dreg:$0x2] =	wrdreg s2  }
0xb0: {  	[dreg:$0x3] =	wrdreg s19  }
0xb1: {  	[dreg:$0x4] =	wrdreg $0x9  }
0xb2: {  	_ =	task.clear_ibuf [dreg:s8], $0x5FFFF;
	_ =	strace $0x90000046  }
0xb3: {  	s29 =	simm.s32 $0x9;
	_ =	strace $0x80000048  }
0xb4: {  	_ =	swait.ge [sflag:s29], $0x1  }
0xb5: {  	[sflag:s29] =	ssyncadd.s32 $0xFFFFFFFF  }
0xb6: {  	_ =	strace $0x90000048  }
0xb7: {  	_ =	sfence  }
0xb8: {  	s30 =	sld [smem:$0x0];
	_ =	sdelay $0x2  }
0xb9: {  	s31 =	sshll.u32 s1, $0xD;
	s1 =	sshrl.u32 s1, $0x2  }
0xba: {  	s3 =	sand.u32 $0x4000, s31;
	s1 =	sadd.s32 s1, s30  }
0xbb: {  	s0 =	sor.u32 s3, s0;
	s1 =	sshll.u32 s1, $0x11  }
0xbc: {  	s0 =	sor.u32 s1, s0  }
0xbd: {  	s0 =	sadd.s32 $0x8F2B, s0  }
0xbe: {  	[sflag:s0] =	ssyncadd.remote.s32 $0x1  }
0xbf: {  	_ =	sfence.sel $0xFFFF  }
0xc0: {  	[dreg:$0x0] =	wrdreg $0xFFFFFFFF;
	(pc) =	sbr.abs _section_cstart, $3  }
0xc1: {  	[dreg:$0x1] =	wrdreg $0xFFFFFFFF  }
0xc2: {  	_ =	task.clear_ibuf [dreg:s8], $0x2FFFF;
	_ =	strace $0x9FFFFFFF  }
0xc3: {  	(tm) =	ssettm $0x7FFFFFFF  }
tec
execute0_lowered:
.L_overlay_start_1:
0x0: {  	(tag) =	ssettag $0x1  }
0x1: {  	s0 =	rddreg [dreg:$0x0];
	s1 =	srdreg.scid  }
0x2: {  	s2 =	stileid.u32;
	s3 =	rddreg [dreg:$0x1];
	s8 =	simm.s32 $0x200  }
0x3: {  	s9 =	simm.s32 $0x4080;
	s1 =	sand.u32 $0x1, s1;
	s4 =	sshll.u32 s2, $0x1  }
0x4: {  	s10 =	simm.s32 $0x1;
	s11 =	simm.s32 $0x2;
	s4 =	sor.u32 s1, s4  }
0x5: {  	s12 =	simm.s32 $0x0;
	s2 =	simm.s32 $0x0;
	s5 =	smul.u32 $0x7D000, s4  }
0x6: {  	[smem:$0x7FF] =	sst s2;
	s7 =	sshll.u32 s4, $0x6;
	s4 =	smul.u32 $0xFA00, s4  }
0x7: {  	_ =	strace $0x80000047;
	s0 =	sadd.s32 s0, s7;
	s5 =	sshrl.u32 s5, $0x3  }
0x8: {  	[dreg:$0x3] =	wrdreg s0;
	s15 =	sadd.s32 s3, s4;
	s5 =	sadd.s32 s3, s5  }
0x9: {  	s1 =	ssub.s32 $0x2, s1;
	[dreg:$0x4] =	wrdreg s15;
	s16 =	sadd.s32 $0x7D0, s5  }
0xa: {  	s6 =	sshrl.u32 s1, $0x1;
	s17 =	sadd.s32 $0xFA0, s5;
	[dreg:$0x5] =	wrdreg s16  }
0xb: {  	s6 =	ssub.s32 s1, s6;
	s18 =	sadd.s32 $0x1770, s5;
	[dreg:$0x6] =	wrdreg s17  }
0xc: {  	s7 =	simm.s32 $0x3;
	s19 =	sadd.s32 $0x1F40, s5;
	[dreg:$0x7] =	wrdreg s18  }
0xd: {  	s6 =	smax.u32 s6, $0x1;
	s20 =	sadd.s32 $0x2710, s5;
	[dreg:$0x8] =	wrdreg s19  }
0xe: {  	s21 =	sadd.s32 $0x2EE0, s5;
	s22 =	sadd.s32 $0x36B0, s5;
	[dreg:$0x9] =	wrdreg s20  }
0xf: {  	s23 =	sadd.s32 $0x3E80, s5;
	s24 =	sadd.s32 $0x4650, s5;
	[dreg:$0xa] =	wrdreg s21  }
0x10: {  	s25 =	sadd.s32 $0x4E20, s5;
	s26 =	sadd.s32 $0x55F0, s5;
	[dreg:$0xb] =	wrdreg s22  }
0x11: {  	s28 =	sadd.s32 $0xB3B0, s5;
	s29 =	sadd.s32 $0xBB80, s5;
	[dreg:$0xc] =	wrdreg s23  }
0x12: {  	s30 =	sadd.s32 $0xC350, s5;
	s31 =	sadd.s32 $0xCB20, s5;
	[dreg:$0xd] =	wrdreg s24  }
0x13: {  	s1 =	sadd.s32 $0xD2F0, s5;
	s0 =	sadd.s32 $0xDAC0, s5;
	[dreg:$0xe] =	wrdreg s25  }
0x14: {  	s3 =	sadd.s32 $0xE290, s5;
	s4 =	sadd.s32 $0xEA60, s5;
	[dreg:$0xf] =	wrdreg s26  }
0x15: {  	s16 =	sadd.s32 $0x5DC0, s5;
	s17 =	sadd.s32 $0x6590, s5;
	s18 =	sadd.s32 $0x6D60, s5  }
0x16: {  	v0 =	vimm.f32 $9.999999740e-05;
	s19 =	sadd.s32 $0x7530, s5;
	s20 =	sadd.s32 $0x7D00, s5;
	s21 =	sadd.s32 $0x84D0, s5  }
0x17: {  	v1 =	vlaneseq.u32;
	v2 =	vimm.f32 $9.000999930e-01;
	s22 =	sadd.s32 $0x8CA0, s5;
	s23 =	sadd.s32 $0x9470, s5;
	s24 =	sadd.s32 $0x9C40, s5  }
0x18: {  	v1 =	vmul.u32 $0x3E8, v1;
	s25 =	sadd.s32 $0xA410, s5;
	s26 =	sadd.s32 $0xABE0, s5;
	s5 =	sadd.s32 $0xF230, s5  }
.LBB2_1:
0x19: {  	s13 =	rddreg [dreg:$0x3]  }
0x1a: {  	[tilespmem:s2], [sflag:$0x3] =	stream.linear.gather [hbm4b:s13+s2], $0x200, $0x38;
	[tilespmem:$0x7F00] =	vst v63  }
0x1b: {  	_ =	swait.ge [sflag:s7], $0x200  }
0x1c: {  	[sflag:s7] =	ssyncset.done $0x0  }
0x1d: {  	s14 =	simm.s32 $0x0;
	s13 =	simm.s32 $0x40;
	[sflag:s7] =	ssyncadd.s32 $0xFFFFFE00  }
.LBB2_2:
0x1e: {  	p0 =	sne.s32 s13, $0xF9C0;
	[tilespmem:s14+$0x200] =	vst v0;
	s15 =	smov.u32 s13;
	s13 =	sadd.s32 $0x40, s13  }
.Ltmp0:
0x1f: {  	[tilespmem:s14+$0x4080] =	vst v0;
	(pc) =	sbr.rel @p0 .LBB2_2-.Ltmp0, $2  }
0x20: {  	_ =	sdelay $0x2  }
0x21: {  	s14 =	sshra.s32 s15, $0x2  }
0x22: {  	[tilespmem:s14+$0x200] =	vst v0  }
0x23: {  	[tilespmem:s14+$0x4080] =	vst v0  }
0x24: {  	v3 =	vld [tilespmem:$0x0];
	_ =	sdelay $0x4  }
0x25: {  	v3 =	vadd.s32 v1, v3;
	_ =	sdelay $0x4  }
0x26: {  	s13 =	rddreg [dreg:$0x4];
	[tilespmem:v3+s8+$0x0] =	vst.idx.msk $0xffff, v2  }
0x27: {  	[hbm4b:s13+s2] =	stream.linear.scatter [tilespmem:s8], [sflag:$0x1], $0x3E80, $0x38;
	[tilespmem:$0x7F00] =	vst v63  }
0x28: {  	v4 =	vld [tilespmem:$0x10];
	_ =	sdelay $0x4  }
0x29: {  	v4 =	vadd.s32 v1, v4;
	_ =	sdelay $0x4  }
0x2a: {  	s15 =	rddreg [dreg:$0x5];
	[tilespmem:v4+s9+$0x0] =	vst.idx.msk $0xffff, v2  }
0x2b: {  	[hbm4b:s15+s2] =	stream.linear.scatter [tilespmem:s9], [sflag:$0x2], $0x3E80, $0x38;
	[tilespmem:$0x7F00] =	vst v63  }
0x2c: {  	_ =	swait.ge [sflag:s10], $0x3E80  }
0x2d: {  	[sflag:s10] =	ssyncset.done $0x0  }
0x2e: {  	[sflag:s10] =	ssyncadd.s32 $0xFFFFC180  }
0x2f: {  	[tilespmem:v3+s8+$0x0] =	vst.idx.msk $0xffff, v0  }
0x30: {  	v3 =	vld [tilespmem:$0x20];
	_ =	sdelay $0x4  }
0x31: {  	v3 =	vadd.s32 v1, v3;
	_ =	sdelay $0x4  }
0x32: {  	s14 =	rddreg [dreg:$0x6];
	[tilespmem:v3+s8+$0x0] =	vst.idx.msk $0xffff, v2  }
0x33: {  	[hbm4b:s14+s2] =	stream.linear.scatter [tilespmem:s8], [sflag:$0x1], $0x3E80, $0x38;
	[tilespmem:$0x7F00] =	vst v63  }
0x34: {  	_ =	swait.ge [sflag:s11], $0x3E80  }
0x35: {  	[sflag:s11] =	ssyncset.done $0x0  }
0x36: {  	[sflag:s11] =	ssyncadd.s32 $0xFFFFC180  }
0x37: {  	[tilespmem:v4+s9+$0x0] =	vst.idx.msk $0xffff, v0  }
0x38: {  	v4 =	vld [tilespmem:$0x30];
	_ =	sdelay $0x4  }
0x39: {  	v4 =	vadd.s32 v1, v4;
	_ =	sdelay $0x4  }
0x3a: {  	s15 =	rddreg [dreg:$0x7];
	[tilespmem:v4+s9+$0x0] =	vst.idx.msk $0xffff, v2  }
0x3b: {  	[hbm4b:s15+s2] =	stream.linear.scatter [tilespmem:s9], [sflag:$0x2], $0x3E80, $0x38;
	[tilespmem:$0x7F00] =	vst v63  }
0x3c: {  	_ =	swait.ge [sflag:s10], $0x3E80  }
0x3d: {  	[sflag:s10] =	ssyncset.done $0x0  }
0x3e: {  	[sflag:s10] =	ssyncadd.s32 $0xFFFFC180  }
0x3f: {  	[tilespmem:v3+s8+$0x0] =	vst.idx.msk $0xffff, v0  }
0x40: {  	v3 =	vld [tilespmem:$0x40];
	_ =	sdelay $0x4  }
0x41: {  	v3 =	vadd.s32 v1, v3;
	_ =	sdelay $0x4  }
0x42: {  	s14 =	rddreg [dreg:$0x8];
	[tilespmem:v3+s8+$0x0] =	vst.idx.msk $0xffff, v2  }
0x43: {  	[hbm4b:s14+s2] =	stream.linear.scatter [tilespmem:s8], [sflag:$0x1], $0x3E80, $0x38;
	[tilespmem:$0x7F00] =	vst v63  }
0x44: {  	_ =	swait.ge [sflag:s11], $0x3E80  }
0x45: {  	[sflag:s11] =	ssyncset.done $0x0  }
0x46: {  	[sflag:s11] =	ssyncadd.s32 $0xFFFFC180  }
0x47: {  	[tilespmem:v4+s9+$0x0] =	vst.idx.msk $0xffff, v0  }
0x48: {  	v4 =	vld [tilespmem:$0x50];
	_ =	sdelay $0x4  }
0x49: {  	v4 =	vadd.s32 v1, v4;
	_ =	sdelay $0x4  }
0x4a: {  	s15 =	rddreg [dreg:$0x9];
	[tilespmem:v4+s9+$0x0] =	vst.idx.msk $0xffff, v2  }
0x4b: {  	[hbm4b:s15+s2] =	stream.linear.scatter [tilespmem:s9], [sflag:$0x2], $0x3E80, $0x38;
	[tilespmem:$0x7F00] =	vst v63  }
0x4c: {  	_ =	swait.ge [sflag:s10], $0x3E80  }
0x4d: {  	[sflag:s10] =	ssyncset.done $0x0  }
0x4e: {  	[sflag:s10] =	ssyncadd.s32 $0xFFFFC180  }
0x4f: {  	[tilespmem:v3+s8+$0x0] =	vst.idx.msk $0xffff, v0  }
0x50: {  	v3 =	vld [tilespmem:$0x60];
	_ =	sdelay $0x4  }
0x51: {  	v3 =	vadd.s32 v1, v3;
	_ =	sdelay $0x4  }
0x52: {  	s14 =	rddreg [dreg:$0xa];
	[tilespmem:v3+s8+$0x0] =	vst.idx.msk $0xffff, v2  }
0x53: {  	[hbm4b:s14+s2] =	stream.linear.scatter [tilespmem:s8], [sflag:$0x1], $0x3E80, $0x38;
	[tilespmem:$0x7F00] =	vst v63  }
0x54: {  	_ =	swait.ge [sflag:s11], $0x3E80  }
0x55: {  	[sflag:s11] =	ssyncset.done $0x0  }
0x56: {  	[sflag:s11] =	ssyncadd.s32 $0xFFFFC180  }
0x57: {  	[tilespmem:v4+s9+$0x0] =	vst.idx.msk $0xffff, v0  }
0x58: {  	v4 =	vld [tilespmem:$0x70];
	_ =	sdelay $0x4  }
0x59: {  	v4 =	vadd.s32 v1, v4;
	_ =	sdelay $0x4  }
0x5a: {  	s15 =	rddreg [dreg:$0xb];
	[tilespmem:v4+s9+$0x0] =	vst.idx.msk $0xffff, v2  }
0x5b: {  	[hbm4b:s15+s2] =	stream.linear.scatter [tilespmem:s9], [sflag:$0x2], $0x3E80, $0x38;
	[tilespmem:$0x7F00] =	vst v63  }
0x5c: {  	_ =	swait.ge [sflag:s10], $0x3E80  }
0x5d: {  	[sflag:s10] =	ssyncset.done $0x0  }
0x5e: {  	[sflag:s10] =	ssyncadd.s32 $0xFFFFC180  }
0x5f: {  	[tilespmem:v3+s8+$0x0] =	vst.idx.msk $0xffff, v0  }
0x60: {  	v3 =	vld [tilespmem:$0x80];
	_ =	sdelay $0x4  }
0x61: {  	v3 =	vadd.s32 v1, v3;
	_ =	sdelay $0x4  }
0x62: {  	s14 =	rddreg [dreg:$0xc];
	[tilespmem:v3+s8+$0x0] =	vst.idx.msk $0xffff, v2  }
0x63: {  	[hbm4b:s14+s2] =	stream.linear.scatter [tilespmem:s8], [sflag:$0x1], $0x3E80, $0x38;
	[tilespmem:$0x7F00] =	vst v63  }
0x64: {  	_ =	swait.ge [sflag:s11], $0x3E80  }
0x65: {  	[sflag:s11] =	ssyncset.done $0x0  }
0x66: {  	[sflag:s11] =	ssyncadd.s32 $0xFFFFC180  }
0x67: {  	[tilespmem:v4+s9+$0x0] =	vst.idx.msk $0xffff, v0  }
0x68: {  	v4 =	vld [tilespmem:$0x90];
	_ =	sdelay $0x4  }
0x69: {  	v4 =	vadd.s32 v1, v4;
	_ =	sdelay $0x4  }
0x6a: {  	s15 =	rddreg [dreg:$0xd];
	[tilespmem:v4+s9+$0x0] =	vst.idx.msk $0xffff, v2  }
0x6b: {  	[hbm4b:s15+s2] =	stream.linear.scatter [tilespmem:s9], [sflag:$0x2], $0x3E80, $0x38;
	[tilespmem:$0x7F00] =	vst v63  }
0x6c: {  	_ =	swait.ge [sflag:s10], $0x3E80  }
0x6d: {  	[sflag:s10] =	ssyncset.done $0x0  }
0x6e: {  	[sflag:s10] =	ssyncadd.s32 $0xFFFFC180  }
0x6f: {  	[tilespmem:v3+s8+$0x0] =	vst.idx.msk $0xffff, v0  }
0x70: {  	v3 =	vld [tilespmem:$0xA0];
	_ =	sdelay $0x4  }
0x71: {  	v3 =	vadd.s32 v1, v3;
	_ =	sdelay $0x4  }
0x72: {  	s14 =	rddreg [dreg:$0xe];
	[tilespmem:v3+s8+$0x0] =	vst.idx.msk $0xffff, v2  }
0x73: {  	[hbm4b:s14+s2] =	stream.linear.scatter [tilespmem:s8], [sflag:$0x1], $0x3E80, $0x38;
	[tilespmem:$0x7F00] =	vst v63  }
0x74: {  	_ =	swait.ge [sflag:s11], $0x3E80  }
0x75: {  	[sflag:s11] =	ssyncset.done $0x0  }
0x76: {  	[sflag:s11] =	ssyncadd.s32 $0xFFFFC180  }
0x77: {  	[tilespmem:v4+s9+$0x0] =	vst.idx.msk $0xffff, v0  }
0x78: {  	v4 =	vld [tilespmem:$0xB0];
	_ =	sdelay $0x4  }
0x79: {  	v4 =	vadd.s32 v1, v4;
	_ =	sdelay $0x4  }
0x7a: {  	s15 =	rddreg [dreg:$0xf];
	[tilespmem:v4+s9+$0x0] =	vst.idx.msk $0xffff, v2  }
0x7b: {  	[hbm4b:s15+s2] =	stream.linear.scatter [tilespmem:s9], [sflag:$0x2], $0x3E80, $0x38;
	[tilespmem:$0x7F00] =	vst v63  }
0x7c: {  	_ =	swait.ge [sflag:s10], $0x3E80  }
0x7d: {  	[sflag:s10] =	ssyncset.done $0x0  }
0x7e: {  	[sflag:s10] =	ssyncadd.s32 $0xFFFFC180  }
0x7f: {  	[tilespmem:v3+s8+$0x0] =	vst.idx.msk $0xffff, v0  }
0x80: {  	v3 =	vld [tilespmem:$0xC0];
	_ =	sdelay $0x4  }
0x81: {  	v3 =	vadd.s32 v1, v3;
	_ =	sdelay $0x4  }
0x82: {  	[tilespmem:v3+s8+$0x0] =	vst.idx.msk $0xffff, v2  }
0x83: {  	[hbm4b:s16+s2] =	stream.linear.scatter [tilespmem:s8], [sflag:$0x1], $0x3E80, $0x38;
	[tilespmem:$0x7F00] =	vst v63  }
0x84: {  	_ =	swait.ge [sflag:s11], $0x3E80  }
0x85: {  	[sflag:s11] =	ssyncset.done $0x0  }
0x86: {  	[sflag:s11] =	ssyncadd.s32 $0xFFFFC180  }
0x87: {  	[tilespmem:v4+s9+$0x0] =	vst.idx.msk $0xffff, v0  }
0x88: {  	v4 =	vld [tilespmem:$0xD0];
	_ =	sdelay $0x4  }
0x89: {  	v4 =	vadd.s32 v1, v4;
	_ =	sdelay $0x4  }
0x8a: {  	[tilespmem:v4+s9+$0x0] =	vst.idx.msk $0xffff, v2  }
0x8b: {  	[hbm4b:s17+s2] =	stream.linear.scatter [tilespmem:s9], [sflag:$0x2], $0x3E80, $0x38;
	[tilespmem:$0x7F00] =	vst v63  }
0x8c: {  	_ =	swait.ge [sflag:s10], $0x3E80  }
0x8d: {  	[sflag:s10] =	ssyncset.done $0x0  }
0x8e: {  	[sflag:s10] =	ssyncadd.s32 $0xFFFFC180  }
0x8f: {  	[tilespmem:v3+s8+$0x0] =	vst.idx.msk $0xffff, v0  }
0x90: {  	v3 =	vld [tilespmem:$0xE0];
	_ =	sdelay $0x4  }
0x91: {  	v3 =	vadd.s32 v1, v3;
	_ =	sdelay $0x4  }
0x92: {  	[tilespmem:v3+s8+$0x0] =	vst.idx.msk $0xffff, v2  }
0x93: {  	[hbm4b:s18+s2] =	stream.linear.scatter [tilespmem:s8], [sflag:$0x1], $0x3E80, $0x38;
	[tilespmem:$0x7F00] =	vst v63  }
0x94: {  	_ =	swait.ge [sflag:s11], $0x3E80  }
0x95: {  	[sflag:s11] =	ssyncset.done $0x0  }
0x96: {  	[sflag:s11] =	ssyncadd.s32 $0xFFFFC180  }
0x97: {  	[tilespmem:v4+s9+$0x0] =	vst.idx.msk $0xffff, v0  }
0x98: {  	v4 =	vld [tilespmem:$0xF0];
	_ =	sdelay $0x4  }
0x99: {  	v4 =	vadd.s32 v1, v4;
	_ =	sdelay $0x4  }
0x9a: {  	[tilespmem:v4+s9+$0x0] =	vst.idx.msk $0xffff, v2  }
0x9b: {  	[hbm4b:s19+s2] =	stream.linear.scatter [tilespmem:s9], [sflag:$0x2], $0x3E80, $0x38;
	[tilespmem:$0x7F00] =	vst v63  }
0x9c: {  	_ =	swait.ge [sflag:s10], $0x3E80  }
0x9d: {  	[sflag:s10] =	ssyncset.done $0x0  }
0x9e: {  	[sflag:s10] =	ssyncadd.s32 $0xFFFFC180  }
0x9f: {  	[tilespmem:v3+s8+$0x0] =	vst.idx.msk $0xffff, v0  }
0xa0: {  	v3 =	vld [tilespmem:$0x100];
	_ =	sdelay $0x4  }
0xa1: {  	v3 =	vadd.s32 v1, v3;
	_ =	sdelay $0x4  }
0xa2: {  	[tilespmem:v3+s8+$0x0] =	vst.idx.msk $0xffff, v2  }
0xa3: {  	[hbm4b:s20+s2] =	stream.linear.scatter [tilespmem:s8], [sflag:$0x1], $0x3E80, $0x38;
	[tilespmem:$0x7F00] =	vst v63  }
0xa4: {  	_ =	swait.ge [sflag:s11], $0x3E80  }
0xa5: {  	[sflag:s11] =	ssyncset.done $0x0  }
0xa6: {  	[sflag:s11] =	ssyncadd.s32 $0xFFFFC180  }
0xa7: {  	[tilespmem:v4+s9+$0x0] =	vst.idx.msk $0xffff, v0  }
0xa8: {  	v4 =	vld [tilespmem:$0x110];
	_ =	sdelay $0x4  }
0xa9: {  	v4 =	vadd.s32 v1, v4;
	_ =	sdelay $0x4  }
0xaa: {  	[tilespmem:v4+s9+$0x0] =	vst.idx.msk $0xffff, v2  }
0xab: {  	[hbm4b:s21+s2] =	stream.linear.scatter [tilespmem:s9], [sflag:$0x2], $0x3E80, $0x38;
	[tilespmem:$0x7F00] =	vst v63  }
0xac: {  	_ =	swait.ge [sflag:s10], $0x3E80  }
0xad: {  	[sflag:s10] =	ssyncset.done $0x0  }
0xae: {  	[sflag:s10] =	ssyncadd.s32 $0xFFFFC180  }
0xaf: {  	[tilespmem:v3+s8+$0x0] =	vst.idx.msk $0xffff, v0  }
0xb0: {  	v3 =	vld [tilespmem:$0x120];
	_ =	sdelay $0x4  }
0xb1: {  	v3 =	vadd.s32 v1, v3;
	_ =	sdelay $0x4  }
0xb2: {  	[tilespmem:v3+s8+$0x0] =	vst.idx.msk $0xffff, v2  }
0xb3: {  	[hbm4b:s22+s2] =	stream.linear.scatter [tilespmem:s8], [sflag:$0x1], $0x3E80, $0x38;
	[tilespmem:$0x7F00] =	vst v63  }
0xb4: {  	_ =	swait.ge [sflag:s11], $0x3E80  }
0xb5: {  	[sflag:s11] =	ssyncset.done $0x0  }
0xb6: {  	[sflag:s11] =	ssyncadd.s32 $0xFFFFC180  }
0xb7: {  	[tilespmem:v4+s9+$0x0] =	vst.idx.msk $0xffff, v0  }
0xb8: {  	v4 =	vld [tilespmem:$0x130];
	_ =	sdelay $0x4  }
0xb9: {  	v4 =	vadd.s32 v1, v4;
	_ =	sdelay $0x4  }
0xba: {  	[tilespmem:v4+s9+$0x0] =	vst.idx.msk $0xffff, v2  }
0xbb: {  	[hbm4b:s23+s2] =	stream.linear.scatter [tilespmem:s9], [sflag:$0x2], $0x3E80, $0x38;
	[tilespmem:$0x7F00] =	vst v63  }
0xbc: {  	_ =	swait.ge [sflag:s10], $0x3E80  }
0xbd: {  	[sflag:s10] =	ssyncset.done $0x0  }
0xbe: {  	[sflag:s10] =	ssyncadd.s32 $0xFFFFC180  }
0xbf: {  	[tilespmem:v3+s8+$0x0] =	vst.idx.msk $0xffff, v0  }
0xc0: {  	v3 =	vld [tilespmem:$0x140];
	_ =	sdelay $0x4  }
0xc1: {  	v3 =	vadd.s32 v1, v3;
	_ =	sdelay $0x4  }
0xc2: {  	[tilespmem:v3+s8+$0x0] =	vst.idx.msk $0xffff, v2  }
0xc3: {  	[hbm4b:s24+s2] =	stream.linear.scatter [tilespmem:s8], [sflag:$0x1], $0x3E80, $0x38;
	[tilespmem:$0x7F00] =	vst v63  }
0xc4: {  	_ =	swait.ge [sflag:s11], $0x3E80  }
0xc5: {  	[sflag:s11] =	ssyncset.done $0x0  }
0xc6: {  	[sflag:s11] =	ssyncadd.s32 $0xFFFFC180  }
0xc7: {  	[tilespmem:v4+s9+$0x0] =	vst.idx.msk $0xffff, v0  }
0xc8: {  	v4 =	vld [tilespmem:$0x150];
	_ =	sdelay $0x4  }
0xc9: {  	v4 =	vadd.s32 v1, v4;
	_ =	sdelay $0x4  }
0xca: {  	[tilespmem:v4+s9+$0x0] =	vst.idx.msk $0xffff, v2  }
0xcb: {  	[hbm4b:s25+s2] =	stream.linear.scatter [tilespmem:s9], [sflag:$0x2], $0x3E80, $0x38;
	[tilespmem:$0x7F00] =	vst v63  }
0xcc: {  	_ =	swait.ge [sflag:s10], $0x3E80  }
0xcd: {  	[sflag:s10] =	ssyncset.done $0x0  }
0xce: {  	[sflag:s10] =	ssyncadd.s32 $0xFFFFC180  }
0xcf: {  	[tilespmem:v3+s8+$0x0] =	vst.idx.msk $0xffff, v0  }
0xd0: {  	v3 =	vld [tilespmem:$0x160];
	_ =	sdelay $0x4  }
0xd1: {  	v3 =	vadd.s32 v1, v3;
	_ =	sdelay $0x4  }
0xd2: {  	[tilespmem:v3+s8+$0x0] =	vst.idx.msk $0xffff, v2  }
0xd3: {  	[hbm4b:s26+s2] =	stream.linear.scatter [tilespmem:s8], [sflag:$0x1], $0x3E80, $0x38;
	[tilespmem:$0x7F00] =	vst v63  }
0xd4: {  	_ =	swait.ge [sflag:s11], $0x3E80  }
0xd5: {  	[sflag:s11] =	ssyncset.done $0x0  }
0xd6: {  	[sflag:s11] =	ssyncadd.s32 $0xFFFFC180  }
0xd7: {  	[tilespmem:v4+s9+$0x0] =	vst.idx.msk $0xffff, v0  }
0xd8: {  	v4 =	vld [tilespmem:$0x170];
	_ =	sdelay $0x4  }
0xd9: {  	v4 =	vadd.s32 v1, v4;
	_ =	sdelay $0x4  }
0xda: {  	[tilespmem:v4+s9+$0x0] =	vst.idx.msk $0xffff, v2  }
0xdb: {  	[hbm4b:s28+s2] =	stream.linear.scatter [tilespmem:s9], [sflag:$0x2], $0x3E80, $0x38;
	[tilespmem:$0x7F00] =	vst v63  }
0xdc: {  	_ =	swait.ge [sflag:s10], $0x3E80  }
0xdd: {  	[sflag:s10] =	ssyncset.done $0x0  }
0xde: {  	[sflag:s10] =	ssyncadd.s32 $0xFFFFC180  }
0xdf: {  	[tilespmem:v3+s8+$0x0] =	vst.idx.msk $0xffff, v0  }
0xe0: {  	v3 =	vld [tilespmem:$0x180];
	_ =	sdelay $0x4  }
0xe1: {  	v3 =	vadd.s32 v1, v3;
	_ =	sdelay $0x4  }
0xe2: {  	[tilespmem:v3+s8+$0x0] =	vst.idx.msk $0xffff, v2  }
0xe3: {  	[hbm4b:s29+s2] =	stream.linear.scatter [tilespmem:s8], [sflag:$0x1], $0x3E80, $0x38;
	[tilespmem:$0x7F00] =	vst v63  }
0xe4: {  	_ =	swait.ge [sflag:s11], $0x3E80  }
0xe5: {  	[sflag:s11] =	ssyncset.done $0x0  }
0xe6: {  	[sflag:s11] =	ssyncadd.s32 $0xFFFFC180  }
0xe7: {  	[tilespmem:v4+s9+$0x0] =	vst.idx.msk $0xffff, v0  }
0xe8: {  	v4 =	vld [tilespmem:$0x190];
	_ =	sdelay $0x4  }
0xe9: {  	v4 =	vadd.s32 v1, v4;
	_ =	sdelay $0x4  }
0xea: {  	[tilespmem:v4+s9+$0x0] =	vst.idx.msk $0xffff, v2  }
0xeb: {  	[hbm4b:s30+s2] =	stream.linear.scatter [tilespmem:s9], [sflag:$0x2], $0x3E80, $0x38;
	[tilespmem:$0x7F00] =	vst v63  }
0xec: {  	_ =	swait.ge [sflag:s10], $0x3E80  }
0xed: {  	[sflag:s10] =	ssyncset.done $0x0  }
0xee: {  	[sflag:s10] =	ssyncadd.s32 $0xFFFFC180  }
0xef: {  	[tilespmem:v3+s8+$0x0] =	vst.idx.msk $0xffff, v0  }
0xf0: {  	v3 =	vld [tilespmem:$0x1A0];
	_ =	sdelay $0x4  }
0xf1: {  	v3 =	vadd.s32 v1, v3;
	_ =	sdelay $0x4  }
0xf2: {  	[tilespmem:v3+s8+$0x0] =	vst.idx.msk $0xffff, v2  }
0xf3: {  	[hbm4b:s31+s2] =	stream.linear.scatter [tilespmem:s8], [sflag:$0x1], $0x3E80, $0x38;
	[tilespmem:$0x7F00] =	vst v63  }
0xf4: {  	_ =	swait.ge [sflag:s11], $0x3E80  }
0xf5: {  	[sflag:s11] =	ssyncset.done $0x0  }
0xf6: {  	[sflag:s11] =	ssyncadd.s32 $0xFFFFC180  }
0xf7: {  	[tilespmem:v4+s9+$0x0] =	vst.idx.msk $0xffff, v0  }
0xf8: {  	v4 =	vld [tilespmem:$0x1B0];
	_ =	sdelay $0x4  }
0xf9: {  	v4 =	vadd.s32 v1, v4;
	_ =	sdelay $0x4  }
0xfa: {  	[tilespmem:v4+s9+$0x0] =	vst.idx.msk $0xffff, v2  }
0xfb: {  	[hbm4b:s1+s2] =	stream.linear.scatter [tilespmem:s9], [sflag:$0x2], $0x3E80, $0x38;
	[tilespmem:$0x7F00] =	vst v63  }
0xfc: {  	_ =	swait.ge [sflag:s10], $0x3E80  }
0xfd: {  	[sflag:s10] =	ssyncset.done $0x0  }
0xfe: {  	[sflag:s10] =	ssyncadd.s32 $0xFFFFC180  }
0xff: {  	[tilespmem:v3+s8+$0x0] =	vst.idx.msk $0xffff, v0  }
0x100: {  	v3 =	vld [tilespmem:$0x1C0];
	_ =	sdelay $0x4  }
0x101: {  	v3 =	vadd.s32 v1, v3;
	_ =	sdelay $0x4  }
0x102: {  	[tilespmem:v3+s8+$0x0] =	vst.idx.msk $0xffff, v2  }
0x103: {  	[hbm4b:s0+s2] =	stream.linear.scatter [tilespmem:s8], [sflag:$0x1], $0x3E80, $0x38;
	[tilespmem:$0x7F00] =	vst v63  }
0x104: {  	_ =	swait.ge [sflag:s11], $0x3E80  }
0x105: {  	[sflag:s11] =	ssyncset.done $0x0  }
0x106: {  	[sflag:s11] =	ssyncadd.s32 $0xFFFFC180  }
0x107: {  	[tilespmem:v4+s9+$0x0] =	vst.idx.msk $0xffff, v0  }
0x108: {  	v4 =	vld [tilespmem:$0x1D0];
	_ =	sdelay $0x4  }
0x109: {  	v4 =	vadd.s32 v1, v4;
	_ =	sdelay $0x4  }
0x10a: {  	[tilespmem:v4+s9+$0x0] =	vst.idx.msk $0xffff, v2  }
0x10b: {  	[hbm4b:s3+s2] =	stream.linear.scatter [tilespmem:s9], [sflag:$0x2], $0x3E80, $0x38;
	[tilespmem:$0x7F00] =	vst v63  }
0x10c: {  	_ =	swait.ge [sflag:s10], $0x3E80  }
0x10d: {  	[sflag:s10] =	ssyncset.done $0x0  }
0x10e: {  	[sflag:s10] =	ssyncadd.s32 $0xFFFFC180  }
0x10f: {  	[tilespmem:v3+s8+$0x0] =	vst.idx.msk $0xffff, v0  }
0x110: {  	v3 =	vld [tilespmem:$0x1E0];
	_ =	sdelay $0x4  }
0x111: {  	v3 =	vadd.s32 v1, v3;
	_ =	sdelay $0x4  }
0x112: {  	[tilespmem:v3+s8+$0x0] =	vst.idx.msk $0xffff, v2  }
0x113: {  	[hbm4b:s4+s2] =	stream.linear.scatter [tilespmem:s8], [sflag:$0x1], $0x3E80, $0x38;
	[tilespmem:$0x7F00] =	vst v63  }
0x114: {  	_ =	swait.ge [sflag:s11], $0x3E80  }
0x115: {  	[sflag:s11] =	ssyncset.done $0x0  }
0x116: {  	[sflag:s11] =	ssyncadd.s32 $0xFFFFC180  }
0x117: {  	[tilespmem:v4+s9+$0x0] =	vst.idx.msk $0xffff, v0  }
0x118: {  	v3 =	vld [tilespmem:$0x1F0];
	_ =	sdelay $0x4  }
0x119: {  	v3 =	vadd.s32 v1, v3;
	_ =	sdelay $0x4  }
0x11a: {  	s12 =	sadd.s32 $0x1, s12;
	[tilespmem:v3+s9+$0x0] =	vst.idx.msk $0xffff, v2  }
0x11b: {  	[hbm4b:s5+s2] =	stream.linear.scatter [tilespmem:s9], [sflag:$0x2], $0x3E80, $0x38;
	[tilespmem:$0x7F00] =	vst v63  }
0x11c: {  	p0 =	sne.s32 s12, s6;
	_ =	swait.ge [sflag:s10], $0x3E80  }
.Ltmp1:
0x11d: {  	[sflag:s10] =	ssyncset.done $0x0;
	(pc) =	sbr.rel @p0 .LBB2_1-.Ltmp1, $4  }
0x11e: {  	[sflag:s10] =	ssyncadd.s32 $0xFFFFC180  }
0x11f: {  	_ =	swait.ge [sflag:s11], $0x3E80  }
0x120: {  	[sflag:s11] =	ssyncset.done $0x0  }
0x121: {  	[sflag:s11] =	ssyncadd.s32 $0xFFFFC180  }
0x122: {  	_ =	sfence.sel $0x180000  }
0x123: {  	[bflag:$0x0] =	sbarrier.arrive $0xFFFF  }
0x124: {  	_ =	strace $0x90000047  }
0x125: {  	s0 =	stileid.u32;
	[bflag:$0x2] =	sbarrier.arrive $0xFFFF  }
0x126: {  	p0 =	sne.s32 s0, $0x0;
	s0 =	rddreg [dreg:$0x2]  }
0x127: {  	s0 =	sadd.s32 @!p0 $0x100000, s0  }
0x128: {  	[sflag:s0] =	ssyncadd.tile.s32 @!p0 $0x1;
	_ =	shalt  }
.Lfunc_end2:
_tile_overlayer_lowered:
.L_overlay_start_2:
0x129: {  	(tag) =	ssettag $0x2  }
0x12a: {  	s0 =	rddreg [dreg:$0x0];
	s2 =	stileid.u32  }
0x12b: {  	s1 =	rddreg [dreg:$0x1];
	p0 =	sne.s32 s2, $0x0  }
0x12c: {  	s3 =	rddreg [dreg:$0x2];
	[bflag:$0x3] =	sbarrier.arrive $0xFFFF;
	s2 =	simm.s32 @!p0 $0x1C03  }
0x12d: {  	[timem:s3], [sflag:s2] =	dma.local @!p0 [hbm:s0], s1  }
0x12e: {  	s0 =	simm.s32 @!p0 $0x3  }
0x12f: {  	_ =	swait.ge @!p0 [sflag:s0], s1  }
0x130: {  	s1 =	ssub.s32 @!p0 $0x0, s1;
	[sflag:s0] =	ssyncset.done @!p0 $0x0  }
0x131: {  	[sflag:s0] =	ssyncadd.s32 @!p0 s1  }
0x132: {  	[bflag:$0x3] =	sbarrier.arrive $0xFFFF  }
0x133: {  	_ =	shalt  }

// kernel: sparse-core-data-format-call.cloned.1.call-start
scs
called_computation_lowered:
.L_overlay_start_0:
0x0: {  	s2 =	sld [smem:$0x3FD9]  }
0x1: {  	s3 =	sld [smem:$0x3FFE];
	_ =	sdelay $0x1  }
0x2: {  	s1 =	srdreg.scid  }
0x3: {  	s0 =	sand.u32 $0x1, s1  }
0x4: {  	s18 =	sshll.u32 s0, $0xA;
	s2 =	sadd.s32 s3, s2  }
0x5: {  	s2 =	sadd.s32 s2, s18  }
0x6: {  	[smem:$0x3FC7] =	sst s2  }
0x7: {  	_ = 	snop  }
0x8: {  	s2 =	sld [smem:$0x3FD0];
	(tm) =	ssettm $0x1  }
0x9: {  	s19 =	sld [smem:$0x3FFB];
	_ =	sdelay $0x3  }
0xa: {  	_ =	strace s19  }
0xb: {  	s3 =	sld [smem:$0x3FFC];
	_ =	sdelay $0x3  }
0xc: {  	_ =	strace s3  }
0xd: {  	s3 =	sld [smem:$0x3FFD];
	_ =	sdelay $0x3  }
0xe: {  	_ =	strace s3  }
0xf: {  	_ =	strace $0x8FFFFFFF  }
0x10: {  	s20 =	sld [smem:$0x3FDB];
	_ =	sdelay $0x1  }
0x11: {  	s4 =	simm.s32 $_scs_section_size  }
0x12: {  	s5 =	simm.s32 $_size__tile_overlayer_lowered;
	s6 =	simm.s32 $_tile_overlayer_lowered  }
0x13: {  	s23 =	simm.s32 $0x1BFF;
	s22 =	sshll.u32 s6, $0x1;
	s3 =	sadd.s32 s4, s20  }
0x14: {  	s7 =	simm.s32 $0x0;
	s21 =	sshll.u32 s5, $0x1;
	s5 =	sadd.s32 s22, s3  }
0x15: {  	[timem:s7], [sflag:s23] =	dma.local [hbm:s5], s21  }
0x16: {  	_ =	swait.ge [sflag:s23], s21  }
0x17: {  	s4 =	ssub.s32 $0x0, s21;
	[sflag:s23] =	ssyncset.done $0x0  }
0x18: {  	[sflag:s23] =	ssyncadd.s32 s4;
	_ =	sdelay $0x1  }
0x19: {  	s24 =	simm.s32 $0x1B8B  }
0x1a: {  	_ =	swait.ge [sflag:s24], $0x1  }
0x1b: {  	[sflag:s24] =	ssyncset.done $0x0  }
0x1c: {  	s26 =	simm.s32 $0x1B8E;
	s25 =	sld [smem:$0x3FFE];
	[sflag:s24] =	ssyncadd.s32 $0xFFFFFFFF  }
0x1d: {  	s27 =	simm.s32 $execute0_lowered;
	[smem:$0x3FD2] =	sst s26  }
0x1e: {  	s5 =	sshll.u32 s27, $0x1;
	_ =	strace $0x80000049;
	[dreg:$0x1] =	wrdreg $0xFFFFFFFF  }
0x1f: {  	s28 =	simm.s32 $_size_execute0_lowered;
	s3 =	sadd.s32 s3, s5;
	[dreg:$0x0] =	wrdreg $0x0  }
0x20: {  	s5 =	sshll.u32 s28, $0x1;
	[dreg:$0x2] =	wrdreg s3  }
0x21: {  	[dreg:$0x3] =	wrdreg s5  }
0x22: {  	[dreg:$0x4] =	wrdreg $0xC0  }
0x23: {  	_ =	task [dreg:s7], $0x5FFFF  }
0x24: {  	[dreg:$0x1] =	wrdreg $0xFFFFFFFF  }
0x25: {  	[dreg:$0x0] =	wrdreg $0x60  }
0x26: {  	[dreg:$0x2] =	wrdreg s25  }
0x27: {  	[dreg:$0x3] =	wrdreg s2  }
0x28: {  	[dreg:$0x4] =	wrdreg $0x9  }
0x29: {  	_ =	task.clear_ibuf [dreg:s7], $0x5FFFF;
	_ =	strace $0x90000049  }
0x2a: {  	s29 =	simm.s32 $0x9;
	_ =	strace $0x8000004B  }
0x2b: {  	_ =	swait.ge [sflag:s29], $0x1  }
0x2c: {  	[sflag:s29] =	ssyncadd.s32 $0xFFFFFFFF  }
0x2d: {  	_ =	strace $0x9000004B  }
0x2e: {  	_ =	sfence  }
0x2f: {  	s30 =	sld [smem:$0x0];
	_ =	sdelay $0x2  }
0x30: {  	s31 =	sshll.u32 s1, $0xD;
	s1 =	sshrl.u32 s1, $0x2  }
0x31: {  	s3 =	sand.u32 $0x4000, s31;
	s1 =	sadd.s32 s1, s30  }
0x32: {  	s0 =	sor.u32 s3, s0;
	s1 =	sshll.u32 s1, $0x11  }
0x33: {  	s0 =	sor.u32 s1, s0  }
0x34: {  	s0 =	sadd.s32 $0x8F2B, s0  }
0x35: {  	[sflag:s0] =	ssyncadd.remote.s32 $0x1  }
0x36: {  	_ =	sfence.sel $0xFFFF  }
0x37: {  	[dreg:$0x0] =	wrdreg $0xFFFFFFFF;
	(pc) =	sbr.abs _section_cstart, $3  }
0x38: {  	[dreg:$0x1] =	wrdreg $0xFFFFFFFF  }
0x39: {  	_ =	task.clear_ibuf [dreg:s7], $0x2FFFF;
	_ =	strace $0x9FFFFFFF  }
0x3a: {  	(tm) =	ssettm $0x7FFFFFFF  }
0x3b: {  	_ =	shalt  }
tec
execute0_lowered:
.L_overlay_start_1:
0x0: {  	(tag) =	ssettag $0x1  }
0x1: {  	s0 =	srdreg.scid;
	s5 =	rddreg [dreg:$0x0]  }
0x2: {  	s3 =	rddreg [dreg:$0x1];
	s1 =	sshll.u32 s0, $0x4  }
0x3: {  	s7 =	simm.s32 $0x1;
	s0 =	stileid.u32;
	s1 =	sand.u32 $0x10, s1  }
0x4: {  	s8 =	simm.s32 $0x2;
	s15 =	simm.s32 $0x0;
	s1 =	sor.u32 s0, s1  }
0x5: {  	s14 =	simm.s32 $0x0;
	s9 =	simm.s32 $0x0;
	s2 =	sshll.u32 s1, $0x7  }
0x6: {  	s10 =	simm.s32 $0x0;
	s11 =	simm.s32 $0x0;
	s6 =	ssub.s32 $0x4000, s2  }
0x7: {  	s13 =	simm.s32 $0x0;
	s5 =	sadd.s32 $0x800, s5;
	s4 =	sand.u32 $0xF80, s6  }
.Ltmp0:
0x8: {  	s1 =	rddreg [dreg:$0x2];
	p0 =	sne.s32 s4, $0x0;
	(pc) =	sbr.rel .LBB1_1-.Ltmp0, $4  }
0x9: {  	_ =	strace $0x8000004A;
	s6 =	sshrl.u32 s6, $0xC;
	s7 =	simm.s32 @!p0 $0x0  }
0xa: {  	s12 =	smov.u32 s2;
	s4 =	simm.s32 $0x1;
	s6 =	sadd.s32 s7, s6  }
0xb: {  	[sflag:s4] =	ssyncpa.u1 $0x0;
	p0 =	por $0x0, $0x0;
	s6 =	sshll.u32 s6, $0x3  }
0xc: {  	[sflag:s8] =	ssyncpa.u1 $0x0;
	s8 =	simm.s32 $0x20000;
	s7 =	sor.u32 $0x1, s6  }
.LBB1_4:
0xd: {  	s20 =	sshra.s32 s20, $0x2  }
0xe: {  	s28 =	sand.u32 $0x78, s10;
	s21 =	sshll.u32 s9, $0xE;
	s22 =	sshll.u32 s10, $0x3  }
0xf: {  	s24 =	sshll.u32 s9, $0x7;
	p1 =	sgt.s32 s9, $0x368;
	s30 =	sshra.s32 s9, $0x1F  }
0x10: {  	s26 =	sshra.s32 s10, $0x1F;
	s19 =	sadd.s32 s20, s19;
	s21 =	sand.u32 $0xFFFE0000, s21  }
0x11: {  	v5 =	vld [tilespmem:s17+$0xFFFFFFD0];
	[tilespmem:s18+$0x2040 ss:$0x81] =	vst.msk $0xffff, v4;
	s23 =	sand.u32 $0xFFFFFC00, s22;
	s29 =	sand.u32 $0x380, s24;
	s22 =	sand.u32 $0x3C00, s22  }
0x12: {  	v58 =	vld [tilespmem:s17+$0xFFFFFFE0];
	[tilespmem:s18+$0x2850 ss:$0x81] =	vst.msk $0xffff, v3;
	s21 =	sadd.s32 s23, s21;
	s20 =	sor.u32 s28, s22;
	s22 =	smov.u32 s9  }
0x13: {  	v59 =	vld [tilespmem:s17+$0xFFFFFFF0];
	[tilespmem:s18+$0x3060 ss:$0x81] =	vst.msk $0xffff, v2;
	s24 =	sand.u32 s30, s9;
	s21 =	sshrl.u32 s21, $0xE;
	s22 =	simm.s32 @!p1 $0x368  }
0x14: {  	v60 =	vld [tilespmem:s17+$0x0];
	[tilespmem:s18+$0x0 ss:$0x81] =	vst.msk $0xffff, v1;
	p1 =	sgt.s32 s10, $0x3F80;
	s31 =	ssub.s32 s22, s24;
	s22 =	smov.u32 s10  }
0x15: {  	v61 =	vld [tilespmem:s17+$0x10];
	[tilespmem:s19+$0x3870 ss:$0x81] =	vst.msk $0xffff, v0;
	s25 =	smulhi.u32 $0x418938, s21;
	s24 =	sand.u32 s26, s10;
	s22 =	simm.s32 @!p1 $0x3F80  }
0x16: {  	v62 =	vld [tilespmem:s17+$0x20];
	s20 =	sor.u32 s29, s20;
	[tilespmem:s19+$0x810 ss:$0x81] =	vst.msk $0xffff, v5;
	s27 =	sadd.s32 $0xFFFFFC98, s31;
	s22 =	ssub.s32 s22, s24  }
0x17: {  	v63 =	vld [tilespmem:s17+$0xFFFFFFC0];
	[tilespmem:s19+$0x1020 ss:$0x81] =	vst.msk $0xffff, v58;
	s18 =	ssub.s32 $0x3E8, s31;
	s28 =	smul.u32 $0x3E8, s25;
	s29 =	sadd.s32 $0xFFFFC080, s22  }
0x18: {  	[tilespmem:s19+$0x1830 ss:$0x81] =	vst.msk $0xffff, v59;
	p1 =	sgt.s32 s27, $0x7F;
	s22 =	ssub.s32 $0x4000, s22;
	p2 =	sgt.s32 s29, $0x7F  }
0x19: {  	s30 =	sand.u32 $0x7, s10;
	[tilespmem:s19+$0x2040 ss:$0x81] =	vst.msk $0xffff, v60;
	s18 =	simm.s32 @p1 $0x0;
	s22 =	simm.s32 @p2 $0x0  }
0x1a: {  	s20 =	sshrl.u32 s20, $0x3;
	[tilespmem:s19+$0x2850 ss:$0x81] =	vst.msk $0xffff, v61;
	s17 =	ssub.s32 s21, s28;
	s18 =	smul.u32 s22, s18  }
0x1b: {  	[tilespmem:s19+$0x3060 ss:$0x81] =	vst.msk $0xffff, v62;
	s20 =	sadd.s32 s3, s20;
	s21 =	sshll.u32 s30, $0x12;
	s17 =	sshll.u32 s17, $0xB  }
0x1c: {  	[tilespmem:s19+$0x0 ss:$0x81] =	vst.msk $0xffff, v63;
	s31 =	sor.u32 $0x400, s21;
	s17 =	sadd.s32 s17, s20;
	s18 =	sand.u32 $0x3FFFFFFF, s18  }
0x1d: {  	[hbm4b:s17+s31] =	stream.strided.scatter [tilespmem:s16], [sflag:$0x2], s18, s8, s31, $0x20;
	[tilespmem:$0x10100] =	vst v63  }
.LBB1_5:
0x1e: {  	p1 =	slt.u32 s13, $0x2  }
0x1f: {  	s17 =	smov.u32 s15;
	p2 =	sgt.s32 @!p1 s15, $0x368;
	s16 =	sshra.s32 @!p1 s15, $0x1F  }
0x20: {  	p3 =	sgt.s32 @!p1 s14, $0x3F80;
	s18 =	sshra.s32 @!p1 s14, $0x1F;
	p2 =	por !p2, p1  }
0x21: {  	s15 =	sand.u32 @!p1 s16, s15;
	p3 =	por !p3, p1;
	s16 =	smov.u32 s14  }
0x22: {  	s14 =	sand.u32 @!p1 s18, s14;
	s17 =	simm.s32 @p2 $0x368;
	s16 =	simm.s32 @p3 $0x3F80  }
0x23: {  	s15 =	ssub.s32 @!p1 s17, s15;
	s14 =	ssub.s32 @!p1 s16, s14  }
0x24: {  	s18 =	smov.u32 s12;
	s16 =	sadd.s32 @!p1 $0xFFFFFC98, s15;
	s17 =	sadd.s32 @!p1 $0xFFFFC080, s14  }
0x25: {  	s15 =	ssub.s32 @!p1 $0x3E8, s15;
	p2 =	sgt.s32 @!p1 s16, $0x7F;
	p3 =	sgt.s32 @!p1 s17, $0x7F  }
0x26: {  	s14 =	ssub.s32 @!p1 $0x4000, s14;
	p2 =	por !p2, p1;
	p3 =	por !p3, p1  }
0x27: {  	s16 =	sadd.s32 $0x80, s11;
	s15 =	simm.s32 @!p2 $0x0;
	s14 =	simm.s32 @!p3 $0x0  }
0x28: {  	p2 =	sgt.s32 s16, $0x3E7;
	s14 =	smul.u32 @!p1 s14, s15;
	s15 =	sadd.s32 $0x1000, s12  }
0x29: {  	s18 =	smov.u32 @p2 s15  }
0x2a: {  	s16 =	simm.s32 @p2 $0x0;
	p2 =	sgt.s32 s18, $0x3FFF  }
0x2b: {  	s18 =	smov.u32 @p2 s2;
	p2 =	sne.s32 s13, s7  }
.Ltmp1:
0x2c: {  	p0 =	por !p0, !p0;
	s17 =	simm.s32 @!p1 $0x2;
	(pc) =	sbr.rel @!p2 .LBB1_6-.Ltmp1, $4  }
0x2d: {  	s15 =	smov.u32 s9;
	s9 =	smov.u32 s11;
	s14 =	sand.u32 @!p1 $0x3FFFFFFF, s14  }
0x2e: {  	s11 =	smov.u32 s16;
	_ =	swait.ge @!p1 [sflag:s17], s14;
	s19 =	ssub.s32 @!p1 $0x0, s14  }
0x2f: {  	s14 =	smov.u32 s10;
	s13 =	sadd.s32 $0x1, s13;
	[sflag:s17] =	ssyncset.done @!p1 $0x0  }
0x30: {  	s10 =	smov.u32 s12;
	s12 =	smov.u32 s18;
	[sflag:s17] =	ssyncadd.s32 @!p1 s19  }
.LBB1_1:
0x31: {  	p1 =	sge.u32 s13, s6  }
0x32: {  	s31 =	sadd.s32 $0xFFFFFFFF, s13;
	s16 =	sshll.u32 @!p1 s12, $0xA  }
0x33: {  	s17 =	sshll.u32 @!p1 s11, $0x3;
	s18 =	sshll.u32 @!p1 s12, $0x7;
	s16 =	sand.u32 @!p1 $0xFFE000, s16  }
0x34: {  	s19 =	sand.u32 @!p1 $0x78, s11;
	s16 =	sadd.s32 @!p1 s16, s17;
	s17 =	sand.u32 @!p1 $0x380, s18  }
0x35: {  	s18 =	sxor.u32 @!p1 $0xFFFFFFFF, s13;
	s16 =	sand.u32 @!p1 $0xFFFC00, s16;
	s17 =	sor.u32 @!p1 s17, s19  }
0x36: {  	s18 =	sshll.u32 @!p1 s18, $0xE;
	s16 =	sor.u32 @!p1 s16, s17;
	s17 =	sand.u32 @!p1 $0x7, s11  }
0x37: {  	s19 =	simm.s32 @!p1 $0x2000;
	s16 =	sshrl.u32 @!p1 s16, $0x3;
	s17 =	sshll.u32 @!p1 s17, $0x12  }
0x38: {  	s18 =	sand.u32 @!p1 $0x4000, s18;
	s16 =	sadd.s32 @!p1 s5, s16;
	s17 =	sor.u32 @!p1 $0x400, s17  }
0x39: {  	[tilespmem:s18], [sflag:$0x1] =	stream.strided.gather @!p1 [hbm4b:s16+s17], $0x4000, s19, s17, $0x38;
	[tilespmem:$0x10100] =	vst v63  }
0x3a: {  	p1 =	sge.u32 s31, s6  }
.Ltmp2:
0x3b: {  	_ = 	snop;
	(pc) =	sbr.rel @p1 .LBB1_5-.Ltmp2, $1  }
0x3c: {  	_ =	sdelay $0x3  }
0x3d: {  	s16 =	simm.s32 $0x1  }
0x3e: {  	_ =	swait.ge [sflag:s4], $0x4000;
	s16 =	simm.s32 @!p0 $0x0  }
0x3f: {  	[sflag:s4] =	ssyncset.done $0x0;
	s17 =	sshll.u32 s16, $0xE  }
0x40: {  	[sflag:s4] =	ssyncadd.s32 $0xFFFFC000;
	s17 =	sor.u32 $0x40, s17  }
0x41: {  	s16 =	smul.u32 $0x10200, s16;
	v0 =	vld [tilespmem:s17+$0x30]  }
0x42: {  	v1 =	vld [tilespmem:s17+$0xFFFFFFD0]  }
0x43: {  	s16 =	sshrl.u32 s16, $0x2;
	v5 =	vld [tilespmem:s17+$0xFFFFFFE0]  }
0x44: {  	v6 =	vld [tilespmem:s17+$0xFFFFFFF0];
	s19 =	sor.u32 $0x8000, s16  }
0x45: {  	s31 =	sand.u32 $0x1, s13;
	v4 =	vld [tilespmem:s17+$0x0];
	s18 =	sadd.s32 $0x0, s19  }
0x46: {  	v3 =	vld [tilespmem:s17+$0x10];
	s16 =	smul.u32 $0x10200, s31;
	[tilespmem:s18+$0x3870 ss:$0x81] =	vst.msk $0xffff, v0  }
0x47: {  	v2 =	vld [tilespmem:s17+$0x20];
	[tilespmem:s18+$0x810 ss:$0x81] =	vst.msk $0xffff, v1  }
0x48: {  	s16 =	sshrl.u32 s16, $0x2;
	v1 =	vld [tilespmem:s17+$0xFFFFFFC0];
	[tilespmem:s18+$0x1020 ss:$0x81] =	vst.msk $0xffff, v5;
	s17 =	sadd.s32 $0x80, s17  }
0x49: {  	s20 =	simm.s32 $0x4;
	s21 =	simm.s32 $0x8;
	s16 =	sor.u32 $0x8000, s16;
	[tilespmem:s18+$0x1830 ss:$0x81] =	vst.msk $0xffff, v6;
	v0 =	vld [tilespmem:s17+$0x30]  }
.LBB1_3:
0x4a: {  	p1 =	sne.s32 s21, $0x1FC;
	v5 =	vld [tilespmem:s17+$0xFFFFFFD0];
	[tilespmem:s18+$0x2040 ss:$0x81] =	vst.msk $0xffff, v4  }
0x4b: {  	v6 =	vld [tilespmem:s17+$0xFFFFFFE0];
	[tilespmem:s18+$0x2850 ss:$0x81] =	vst.msk $0xffff, v3  }
0x4c: {  	s22 =	sshra.s32 s20, $0x2;
	s20 =	smov.u32 s21;
	v7 =	vld [tilespmem:s17+$0xFFFFFFF0];
	[tilespmem:s18+$0x3060 ss:$0x81] =	vst.msk $0xffff, v2  }
.Ltmp3:
0x4d: {  	v4 =	vld [tilespmem:s17+$0x0];
	[tilespmem:s18+$0x0 ss:$0x81] =	vst.msk $0xffff, v1;
	s18 =	sadd.s32 s22, s19;
	(pc) =	sbr.rel @p1 .LBB1_3-.Ltmp3, $4  }
0x4e: {  	v3 =	vld [tilespmem:s17+$0x10];
	[tilespmem:s18+$0x3870 ss:$0x81] =	vst.msk $0xffff, v0  }
0x4f: {  	[tilespmem:s18+$0x810 ss:$0x81] =	vst.msk $0xffff, v5;
	v2 =	vld [tilespmem:s17+$0x20]  }
0x50: {  	v1 =	vld [tilespmem:s17+$0xFFFFFFC0];
	[tilespmem:s18+$0x1020 ss:$0x81] =	vst.msk $0xffff, v6;
	s17 =	sadd.s32 $0x80, s17  }
0x51: {  	s21 =	sadd.s32 $0x4, s21;
	v0 =	vld [tilespmem:s17+$0x30];
	[tilespmem:s18+$0x1830 ss:$0x81] =	vst.msk $0xffff, v7  }
.Ltmp4:
0x52: {  	_ = 	snop;
	(pc) =	sbr.rel .LBB1_4-.Ltmp4, $1  }
0x53: {  	_ =	sdelay $0x3  }
.LBB1_6:
0x54: {  	_ =	sfence.sel $0x180000  }
0x55: {  	s2 =	simm.s32 $0x1;
	[bflag:$0x0] =	sbarrier.arrive $0xFFFF  }
0x56: {  	s31 =	simm.s32 $0x2;
	[sflag:s2] =	ssyncpa.u1 $0x1  }
0x57: {  	[sflag:s31] =	ssyncpa.u1 $0x1  }
0x58: {  	p0 =	sne.s32 s0, $0x0;
	_ =	strace $0x9000004A  }
0x59: {  	s0 =	sadd.s32 @!p0 $0x100000, s1;
	[bflag:$0x2] =	sbarrier.arrive $0xFFFF  }
0x5a: {  	[sflag:s0] =	ssyncadd.tile.s32 @!p0 $0x1;
	_ =	shalt  }
.Lfunc_end1:
_tile_overlayer_lowered:
.L_overlay_start_2:
0x5b: {  	(tag) =	ssettag $0x2  }
0x5c: {  	s0 =	rddreg [dreg:$0x0];
	s2 =	stileid.u32  }
0x5d: {  	s1 =	rddreg [dreg:$0x1];
	p0 =	sne.s32 s2, $0x0  }
0x5e: {  	s3 =	rddreg [dreg:$0x2];
	[bflag:$0x3] =	sbarrier.arrive $0xFFFF;
	s2 =	simm.s32 @!p0 $0x1C01  }
0x5f: {  	[timem:s3], [sflag:s2] =	dma.local @!p0 [hbm:s0], s1  }
0x60: {  	s0 =	simm.s32 @!p0 $0x1  }
0x61: {  	_ =	swait.ge @!p0 [sflag:s0], s1  }
0x62: {  	s1 =	ssub.s32 @!p0 $0x0, s1;
	[sflag:s0] =	ssyncset.done @!p0 $0x0  }
0x63: {  	[sflag:s0] =	ssyncadd.s32 @!p0 s1  }
0x64: {  	[bflag:$0x3] =	sbarrier.arrive $0xFFFF  }
0x65: {  	_ =	shalt  }

</sc_bundles>
